<compile_context>
chip_gen: v7x
topology: tpu7x:2x2x1
jax: 0.10.2.dev20260603
libtpu: 0.0.44.dev20260713+nightly
codegen_flags: <defaults>
</compile_context>

<pallas_src>
import functools

import jax
import jax.numpy as jnp
from jax import lax
from jax.experimental import pallas as pl
from jax.experimental.pallas import tpu as pltpu
from jax.experimental.pallas import tpu_sc as plsc

N_NODES = 10000
N_EDGES = 320000
D = 128

NC = 2
NS = 16
NW = NC * NS
L = 16

NP = 10240
EPT = N_EDGES // NW
CH = 80
NCHUNK = EPT // CH
RPT = NP // NS


def _sc_mesh():
    return plsc.VectorSubcoreMesh(
        core_axis_name="c", subcore_axis_name="s", num_cores=NC, num_subcores=NS
    )


def _zero_fill(buf, nrows):
    def fill_zero(i, carry):
        for j in range(D // L):
            buf[i, pl.ds(j * L, L)] = jnp.zeros((L,), jnp.float32)
        return carry

    lax.fori_loop(0, nrows, fill_zero, 0)


def _zero_acc(rows_v, acc, sid):
    r0 = sid * RPT
    for j in range(RPT // CH):
        pltpu.sync_copy(rows_v, acc.at[pl.ds(r0 + j * CH, CH)])


def _agg_body(h_hbm, src_hbm, dst_hbm, out_hbm, src_v, dst_v, rows_v, acc, sem):
    cid = lax.axis_index("c")
    sid = lax.axis_index("s")
    wid = sid * NC + cid

    _zero_fill(rows_v, CH)
    _zero_acc(rows_v, acc, sid)
    plsc.subcore_barrier()

    def body(k, carry):
        base = wid * EPT + k * CH
        pltpu.sync_copy(src_hbm.at[pl.ds(base, CH)], src_v)
        pltpu.sync_copy(dst_hbm.at[pl.ds(base, CH)], dst_v)
        pltpu.async_copy(h_hbm.at[src_v], rows_v, sem).wait()
        pltpu.sync_copy(rows_v, acc.at[dst_v], add=True)
        return carry

    lax.fori_loop(0, NCHUNK, body, 0)
    plsc.subcore_barrier()

    r0 = sid * RPT
    pltpu.sync_copy(acc.at[pl.ds(r0, RPT)], out_hbm.at[cid, pl.ds(r0, RPT)])


def _agg_call(h, src, dst):
    return pl.kernel(
        _agg_body,
        out_type=jax.ShapeDtypeStruct((NC, NP, D), jnp.float32),
        mesh=_sc_mesh(),
        scratch_types=[
            pltpu.VMEM((CH,), jnp.int32),
            pltpu.VMEM((CH,), jnp.int32),
            pltpu.VMEM((CH, D), jnp.float32),
            pltpu.VMEM_SHARED((NP, D), jnp.float32),
            pltpu.SemaphoreType.DMA,
        ],
    )(h, src, dst)


def _deg_body(src_hbm, dst_hbm, out_hbm, idx_v, ones_v, zb_v, acc):
    cid = lax.axis_index("c")
    sid = lax.axis_index("s")
    wid = sid * NC + cid
    r0 = sid * RPT

    _zero_fill(zb_v, CH)

    def fill_one(i, carry):
        for j in range(D // L):
            ones_v[i, pl.ds(j * L, L)] = jnp.full((L,), 1.0, jnp.float32)
        return carry

    lax.fori_loop(0, CH, fill_one, 0)

    for which, idx_hbm in ((0, src_hbm), (1, dst_hbm)):
        _zero_acc(zb_v, acc, sid)
        plsc.subcore_barrier()

        def body(k, carry):
            base = wid * EPT + k * CH
            pltpu.sync_copy(idx_hbm.at[pl.ds(base, CH)], idx_v)
            pltpu.sync_copy(ones_v, acc.at[idx_v], add=True)
            return carry

        lax.fori_loop(0, NCHUNK, body, 0)
        plsc.subcore_barrier()
        pltpu.sync_copy(
            acc.at[pl.ds(r0, RPT)], out_hbm.at[cid, which, pl.ds(r0, RPT)]
        )
        plsc.subcore_barrier()


def _deg_call(src, dst):
    return pl.kernel(
        _deg_body,
        out_type=jax.ShapeDtypeStruct((NC, 2, NP, D), jnp.float32),
        mesh=_sc_mesh(),
        scratch_types=[
            pltpu.VMEM((CH,), jnp.int32),
            pltpu.VMEM((CH, D), jnp.float32),
            pltpu.VMEM((CH, D), jnp.float32),
            pltpu.VMEM_SHARED((NP, D), jnp.float32),
        ],
    )(src, dst)


def _scale_kernel_body(x_ref, degs_ref, h_ref, ns_ref, nd_ref):
    dout = degs_ref[0, 0, :, 0:1] + degs_ref[1, 0, :, 0:1]
    din = degs_ref[0, 1, :, 0:1] + degs_ref[1, 1, :, 0:1]
    ns = lax.rsqrt(jnp.maximum(dout, 1.0))
    nd = lax.rsqrt(jnp.maximum(din, 1.0))
    h_ref[...] = x_ref[...] * ns
    ns_ref[...] = ns
    nd_ref[...] = nd


def _scale_call(x_pad, degs):
    return pl.pallas_call(
        _scale_kernel_body,
        out_shape=[
            jax.ShapeDtypeStruct((NP, D), jnp.float32),
            jax.ShapeDtypeStruct((NP, 1), jnp.float32),
            jax.ShapeDtypeStruct((NP, 1), jnp.float32),
        ],
    )(x_pad, degs)


def _dense_kernel_body(scale_next, p_ref, nd_ref, ns_ref, w_ref, b_ref, o_ref):
    agg = (p_ref[0] + p_ref[1]) * nd_ref[...]
    y = jnp.dot(agg, w_ref[...], preferred_element_type=jnp.float32)
    y = jnp.maximum(y + b_ref[...], 0.0)
    if scale_next:
        y = y * ns_ref[...]
    o_ref[...] = y


def _dense_call(partials, nd, ns, w, b, scale_next):
    return pl.pallas_call(
        functools.partial(_dense_kernel_body, scale_next),
        out_shape=jax.ShapeDtypeStruct((NP, D), jnp.float32),
    )(partials, nd, ns, w, b)


def kernel(x, edge_index, W1, b1, W2, b2):
    src = edge_index[0]
    dst = edge_index[1]
    x_pad = jnp.pad(x, ((0, NP - N_NODES), (0, 0)))
    b1r = b1.reshape(1, D)
    b2r = b2.reshape(1, D)

    degs = _deg_call(src, dst)
    h1, ns, nd = _scale_call(x_pad, degs)
    p1 = _agg_call(h1, src, dst)
    h2 = _dense_call(p1, nd, ns, W1, b1r, scale_next=True)
    p2 = _agg_call(h2, src, dst)
    out = _dense_call(p2, nd, ns, W2, b2r, scale_next=False)
    return out[:N_NODES]

# --- scband reference (transcript-rebuilt; emitter-appended) ---
"""Pipeline reference for scband-two-layer-gcn-65429531787930 (READ-ONLY COPY).

The authoritative reference and input builder live on the scoring server;
editing this copy changes nothing except your own understanding.
"""

import jax, jax.numpy as jnp
import numpy as np

N_NODES = 10000
N_EDGES = 320000
D_IN = 128
D_HID = 128
D_OUT = 128


def setup_inputs(seed: int = 0) -> dict:
    key = jax.random.key(seed)
    k1, k2, k3, k4, k5, k6 = jax.random.split(key, 6)
    x = jax.random.normal(k1, (N_NODES, D_IN), dtype=jnp.float32)
    edge_index = jax.random.randint(k2, (2, N_EDGES), 0, N_NODES, dtype=jnp.int32)
    W1 = jax.random.normal(k3, (D_IN, D_HID), dtype=jnp.float32) * 0.05
    b1 = jnp.zeros((D_HID,), dtype=jnp.float32)
    W2 = jax.random.normal(k4, (D_HID, D_OUT), dtype=jnp.float32) * 0.05
    b2 = jnp.zeros((D_OUT,), dtype=jnp.float32)
    return {"x": x, "edge_index": edge_index, "W1": W1, "b1": b1, "W2": W2, "b2": b2}


def _graph_conv(x, W, b, src, dst, n_nodes):
    # DGL GraphConv with norm='both', allow_zero_in_degree=True:
    #   h = D_dst^{-1/2} A D_src^{-1/2} x W + b  (degrees clamped to min 1)
    ones = jnp.ones((src.shape[0],), dtype=x.dtype)
    deg_out = jnp.clip(jnp.zeros((n_nodes,), dtype=x.dtype).at[src].add(ones), 1.0, None)
    deg_in = jnp.clip(jnp.zeros((n_nodes,), dtype=x.dtype).at[dst].add(ones), 1.0, None)
    norm_src = jax.lax.rsqrt(deg_out)
    norm_dst = jax.lax.rsqrt(deg_in)
    h = x * norm_src[:, None]
    msgs = jnp.take(h, src, axis=0)
    agg = jnp.zeros((n_nodes, x.shape[1]), dtype=x.dtype).at[dst].add(msgs)
    agg = agg * norm_dst[:, None]
    return agg @ W + b


def reference(x, edge_index, W1, b1, W2, b2):
    src = edge_index[0]
    dst = edge_index[1]
    n = x.shape[0]
    h = jax.nn.relu(_graph_conv(x, W1, b1, src, dst, n))
    out = jax.nn.relu(_graph_conv(h, W2, b2, src, dst, n))
    return out

if __name__ == "__main__":
    import jax
    _d = setup_inputs()
    print(jax.jit(kernel)(*tuple(_d.values())))

</pallas_src>

<mosaic_0001>
#map = affine_map<(d0, d1) -> (0, 0)>
#map1 = affine_map<(d0, d1) -> (0)>
#map2 = affine_map<(d0, d1) -> (0, 0, 0)>
module attributes {stable_mosaic.version = 14 : i64} {
  func.func @_agg_body(%arg0: i32, %arg1: i32, %arg2: memref<10240x128xf32, #tpu.memory_space<hbm>>, %arg3: memref<320000xi32, #tpu.memory_space<hbm>>, %arg4: memref<320000xi32, #tpu.memory_space<hbm>>, %arg5: memref<2x10240x128xf32, #tpu.memory_space<hbm>>, %arg6: memref<80xi32, #tpu.memory_space<vmem>>, %arg7: memref<80xi32, #tpu.memory_space<vmem>>, %arg8: memref<80x128xf32, #tpu.memory_space<vmem>>, %arg9: memref<10240x128xf32, #tpu.memory_space<vmem_shared>>, %arg10: memref<!tpu.dma_semaphore, #tpu.memory_space<semaphore_mem>>) attributes {dimension_semantics = [#tpu.dimension_semantics<core_parallel>, #tpu.dimension_semantics<subcore_parallel>], iteration_bounds = array<i64: 2, 16>, scalar_prefetch = 0 : i64, scratch_operands = 5 : i64, tpu.core_type = #tpu.core_type<sc_vector_subcore>, window_params = [{transform_indices = #map}, {transform_indices = #map1}, {transform_indices = #map1}, {transform_indices = #map2}]} {
    %mul3A = arith.constant 2 : i32
    %mul3A_0 = arith.muli %arg1, %mul3A : i32
    %add3A = arith.addi %mul3A_0, %arg0 : i32
    %scan3A = arith.constant 0 : i32
    %scan3A_1 = arith.constant 0 : i32
    %scan3A_2 = arith.constant 80 : i32
    %scan3A_3 = arith.addi %scan3A_1, %scan3A_2 : i32
    %scan3A_4 = arith.constant 1 : i32
    scf.for %scan3A_33 = %scan3A_1 to %scan3A_3 step %scan3A_4  : i32 {
      %broadcast_in_dim3A = arith.constant 0.000000e+00 : f32
      %broadcast_in_dim3A_34 = vector.broadcast %broadcast_in_dim3A : f32 to vector<16xf32>
      %swap3A = arith.index_cast %scan3A_33 : i32 to index
      %swap3A_35 = arith.constant 0 : index
      %swap3A_36 = tpu.vector_load %arg8[%swap3A, %swap3A_35] {strides = array<i32>} : memref<80x128xf32, #tpu.memory_space<vmem>>, vector<1x16xf32>,
      %swap3A_37 = vector.shape_cast %swap3A_36 : vector<1x16xf32> to vector<16xf32>
      %swap3A_38 = vector.shape_cast %broadcast_in_dim3A_34 : vector<16xf32> to vector<1x16xf32>
      tpu.vector_store %arg8[%swap3A, %swap3A_35], %swap3A_38 {strides = array<i32>} : memref<80x128xf32, #tpu.memory_space<vmem>>, vector<1x16xf32>,
      %broadcast_in_dim3A_39 = arith.constant 0.000000e+00 : f32
      %broadcast_in_dim3A_40 = vector.broadcast %broadcast_in_dim3A_39 : f32 to vector<16xf32>
      %swap3A_41 = arith.index_cast %scan3A_33 : i32 to index
      %swap3A_42 = arith.constant 16 : index
      %swap3A_43 = tpu.vector_load %arg8[%swap3A_41, %swap3A_42] {strides = array<i32>} : memref<80x128xf32, #tpu.memory_space<vmem>>, vector<1x16xf32>,
      %swap3A_44 = vector.shape_cast %swap3A_43 : vector<1x16xf32> to vector<16xf32>
      %swap3A_45 = vector.shape_cast %broadcast_in_dim3A_40 : vector<16xf32> to vector<1x16xf32>
      tpu.vector_store %arg8[%swap3A_41, %swap3A_42], %swap3A_45 {strides = array<i32>} : memref<80x128xf32, #tpu.memory_space<vmem>>, vector<1x16xf32>,
      %broadcast_in_dim3A_46 = arith.constant 0.000000e+00 : f32
      %broadcast_in_dim3A_47 = vector.broadcast %broadcast_in_dim3A_46 : f32 to vector<16xf32>
      %swap3A_48 = arith.index_cast %scan3A_33 : i32 to index
      %swap3A_49 = arith.constant 32 : index
      %swap3A_50 = tpu.vector_load %arg8[%swap3A_48, %swap3A_49] {strides = array<i32>} : memref<80x128xf32, #tpu.memory_space<vmem>>, vector<1x16xf32>,
      %swap3A_51 = vector.shape_cast %swap3A_50 : vector<1x16xf32> to vector<16xf32>
      %swap3A_52 = vector.shape_cast %broadcast_in_dim3A_47 : vector<16xf32> to vector<1x16xf32>
      tpu.vector_store %arg8[%swap3A_48, %swap3A_49], %swap3A_52 {strides = array<i32>} : memref<80x128xf32, #tpu.memory_space<vmem>>, vector<1x16xf32>,
      %broadcast_in_dim3A_53 = arith.constant 0.000000e+00 : f32
      %broadcast_in_dim3A_54 = vector.broadcast %broadcast_in_dim3A_53 : f32 to vector<16xf32>
      %swap3A_55 = arith.index_cast %scan3A_33 : i32 to index
      %swap3A_56 = arith.constant 48 : index
      %swap3A_57 = tpu.vector_load %arg8[%swap3A_55, %swap3A_56] {strides = array<i32>} : memref<80x128xf32, #tpu.memory_space<vmem>>, vector<1x16xf32>,
      %swap3A_58 = vector.shape_cast %swap3A_57 : vector<1x16xf32> to vector<16xf32>
      %swap3A_59 = vector.shape_cast %broadcast_in_dim3A_54 : vector<16xf32> to vector<1x16xf32>
      tpu.vector_store %arg8[%swap3A_55, %swap3A_56], %swap3A_59 {strides = array<i32>} : memref<80x128xf32, #tpu.memory_space<vmem>>, vector<1x16xf32>,
      %broadcast_in_dim3A_60 = arith.constant 0.000000e+00 : f32
      %broadcast_in_dim3A_61 = vector.broadcast %broadcast_in_dim3A_60 : f32 to vector<16xf32>
      %swap3A_62 = arith.index_cast %scan3A_33 : i32 to index
      %swap3A_63 = arith.constant 64 : index
      %swap3A_64 = tpu.vector_load %arg8[%swap3A_62, %swap3A_63] {strides = array<i32>} : memref<80x128xf32, #tpu.memory_space<vmem>>, vector<1x16xf32>,
      %swap3A_65 = vector.shape_cast %swap3A_64 : vector<1x16xf32> to vector<16xf32>
      %swap3A_66 = vector.shape_cast %broadcast_in_dim3A_61 : vector<16xf32> to vector<1x16xf32>
      tpu.vector_store %arg8[%swap3A_62, %swap3A_63], %swap3A_66 {strides = array<i32>} : memref<80x128xf32, #tpu.memory_space<vmem>>, vector<1x16xf32>,
      %broadcast_in_dim3A_67 = arith.constant 0.000000e+00 : f32
      %broadcast_in_dim3A_68 = vector.broadcast %broadcast_in_dim3A_67 : f32 to vector<16xf32>
      %swap3A_69 = arith.index_cast %scan3A_33 : i32 to index
      %swap3A_70 = arith.constant 80 : index
      %swap3A_71 = tpu.vector_load %arg8[%swap3A_69, %swap3A_70] {strides = array<i32>} : memref<80x128xf32, #tpu.memory_space<vmem>>, vector<1x16xf32>,
      %swap3A_72 = vector.shape_cast %swap3A_71 : vector<1x16xf32> to vector<16xf32>
      %swap3A_73 = vector.shape_cast %broadcast_in_dim3A_68 : vector<16xf32> to vector<1x16xf32>
      tpu.vector_store %arg8[%swap3A_69, %swap3A_70], %swap3A_73 {strides = array<i32>} : memref<80x128xf32, #tpu.memory_space<vmem>>, vector<1x16xf32>,
      %broadcast_in_dim3A_74 = arith.constant 0.000000e+00 : f32
      %broadcast_in_dim3A_75 = vector.broadcast %broadcast_in_dim3A_74 : f32 to vector<16xf32>
      %swap3A_76 = arith.index_cast %scan3A_33 : i32 to index
      %swap3A_77 = arith.constant 96 : index
      %swap3A_78 = tpu.vector_load %arg8[%swap3A_76, %swap3A_77] {strides = array<i32>} : memref<80x128xf32, #tpu.memory_space<vmem>>, vector<1x16xf32>,
      %swap3A_79 = vector.shape_cast %swap3A_78 : vector<1x16xf32> to vector<16xf32>
      %swap3A_80 = vector.shape_cast %broadcast_in_dim3A_75 : vector<16xf32> to vector<1x16xf32>
      tpu.vector_store %arg8[%swap3A_76, %swap3A_77], %swap3A_80 {strides = array<i32>} : memref<80x128xf32, #tpu.memory_space<vmem>>, vector<1x16xf32>,
      %broadcast_in_dim3A_81 = arith.constant 0.000000e+00 : f32
      %broadcast_in_dim3A_82 = vector.broadcast %broadcast_in_dim3A_81 : f32 to vector<16xf32>
      %swap3A_83 = arith.index_cast %scan3A_33 : i32 to index
      %swap3A_84 = arith.constant 112 : index
      %swap3A_85 = tpu.vector_load %arg8[%swap3A_83, %swap3A_84] {strides = array<i32>} : memref<80x128xf32, #tpu.memory_space<vmem>>, vector<1x16xf32>,
      %swap3A_86 = vector.shape_cast %swap3A_85 : vector<1x16xf32> to vector<16xf32>
      %swap3A_87 = vector.shape_cast %broadcast_in_dim3A_82 : vector<16xf32> to vector<1x16xf32>
      tpu.vector_store %arg8[%swap3A_83, %swap3A_84], %swap3A_87 {strides = array<i32>} : memref<80x128xf32, #tpu.memory_space<vmem>>, vector<1x16xf32>,
    }
    %scan3A_5 = arith.constant 80 : i32
    %mul3A_6 = arith.constant 640 : i32
    %mul3A_7 = arith.muli %arg1, %mul3A_6 : i32
    %add3A_8 = arith.constant 0 : i32
    %add3A_9 = arith.addi %mul3A_7, %add3A_8 : i32
    "tpu.region"() ({
      %run_scoped3A = tpu.sem_alloc : memref<!tpu.dma_semaphore, #tpu.memory_space<semaphore_mem>>
      %dma_start3A = arith.constant 0 : i32
      %dma_start3A_33 = tpu.memref_slice %arg9[%add3A_9, %dma_start3A] : memref<10240x128xf32, #tpu.memory_space<vmem_shared>> -> memref<80x128xf32, #tpu.memory_space<vmem_shared>>
      %dma_start3A_34 = arith.constant 0 : i32
      %dma_start3A_35 = tpu.memref_slice %arg9[%add3A_9, %dma_start3A_34] : memref<10240x128xf32, #tpu.memory_space<vmem_shared>> -> memref<80x128xf32, #tpu.memory_space<vmem_shared>>
      tpu.enqueue_dma source(%arg8 : memref<80x128xf32, #tpu.memory_space<vmem>>) target(%dma_start3A_35 : memref<80x128xf32, #tpu.memory_space<vmem_shared>>) target_semaphore(%run_scoped3A : memref<!tpu.dma_semaphore, #tpu.memory_space<semaphore_mem>>)
      %dma_wait3A = arith.constant 0 : i32
      %dma_wait3A_36 = tpu.memref_slice %arg9[%add3A_9, %dma_wait3A] : memref<10240x128xf32, #tpu.memory_space<vmem_shared>> -> memref<80x128xf32, #tpu.memory_space<vmem_shared>>
      %dma_wait3A_37 = arith.constant 0 : i32
      %dma_wait3A_38 = tpu.memref_slice %arg9[%add3A_9, %dma_wait3A_37] : memref<10240x128xf32, #tpu.memory_space<vmem_shared>> -> memref<80x128xf32, #tpu.memory_space<vmem_shared>>
      tpu.wait_dma2 semaphore(%run_scoped3A : memref<!tpu.dma_semaphore, #tpu.memory_space<semaphore_mem>>) src(%arg8 : memref<80x128xf32, #tpu.memory_space<vmem>>) dst(%dma_wait3A_38 : memref<80x128xf32, #tpu.memory_space<vmem_shared>>)
      tpu.yield
    }) : () -> ()
    %add3A_10 = arith.constant 80 : i32
    %add3A_11 = arith.addi %mul3A_7, %add3A_10 : i32
    "tpu.region"() ({
      %run_scoped3A = tpu.sem_alloc : memref<!tpu.dma_semaphore, #tpu.memory_space<semaphore_mem>>
      %dma_start3A = arith.constant 0 : i32
      %dma_start3A_33 = tpu.memref_slice %arg9[%add3A_11, %dma_start3A] : memref<10240x128xf32, #tpu.memory_space<vmem_shared>> -> memref<80x128xf32, #tpu.memory_space<vmem_shared>>
      %dma_start3A_34 = arith.constant 0 : i32
      %dma_start3A_35 = tpu.memref_slice %arg9[%add3A_11, %dma_start3A_34] : memref<10240x128xf32, #tpu.memory_space<vmem_shared>> -> memref<80x128xf32, #tpu.memory_space<vmem_shared>>
      tpu.enqueue_dma source(%arg8 : memref<80x128xf32, #tpu.memory_space<vmem>>) target(%dma_start3A_35 : memref<80x128xf32, #tpu.memory_space<vmem_shared>>) target_semaphore(%run_scoped3A : memref<!tpu.dma_semaphore, #tpu.memory_space<semaphore_mem>>)
      %dma_wait3A = arith.constant 0 : i32
      %dma_wait3A_36 = tpu.memref_slice %arg9[%add3A_11, %dma_wait3A] : memref<10240x128xf32, #tpu.memory_space<vmem_shared>> -> memref<80x128xf32, #tpu.memory_space<vmem_shared>>
      %dma_wait3A_37 = arith.constant 0 : i32
      %dma_wait3A_38 = tpu.memref_slice %arg9[%add3A_11, %dma_wait3A_37] : memref<10240x128xf32, #tpu.memory_space<vmem_shared>> -> memref<80x128xf32, #tpu.memory_space<vmem_shared>>
      tpu.wait_dma2 semaphore(%run_scoped3A : memref<!tpu.dma_semaphore, #tpu.memory_space<semaphore_mem>>) src(%arg8 : memref<80x128xf32, #tpu.memory_space<vmem>>) dst(%dma_wait3A_38 : memref<80x128xf32, #tpu.memory_space<vmem_shared>>)
      tpu.yield
    }) : () -> ()
    %add3A_12 = arith.constant 160 : i32
    %add3A_13 = arith.addi %mul3A_7, %add3A_12 : i32
    "tpu.region"() ({
      %run_scoped3A = tpu.sem_alloc : memref<!tpu.dma_semaphore, #tpu.memory_space<semaphore_mem>>
      %dma_start3A = arith.constant 0 : i32
      %dma_start3A_33 = tpu.memref_slice %arg9[%add3A_13, %dma_start3A] : memref<10240x128xf32, #tpu.memory_space<vmem_shared>> -> memref<80x128xf32, #tpu.memory_space<vmem_shared>>
      %dma_start3A_34 = arith.constant 0 : i32
      %dma_start3A_35 = tpu.memref_slice %arg9[%add3A_13, %dma_start3A_34] : memref<10240x128xf32, #tpu.memory_space<vmem_shared>> -> memref<80x128xf32, #tpu.memory_space<vmem_shared>>
      tpu.enqueue_dma source(%arg8 : memref<80x128xf32, #tpu.memory_space<vmem>>) target(%dma_start3A_35 : memref<80x128xf32, #tpu.memory_space<vmem_shared>>) target_semaphore(%run_scoped3A : memref<!tpu.dma_semaphore, #tpu.memory_space<semaphore_mem>>)
      %dma_wait3A = arith.constant 0 : i32
      %dma_wait3A_36 = tpu.memref_slice %arg9[%add3A_13, %dma_wait3A] : memref<10240x128xf32, #tpu.memory_space<vmem_shared>> -> memref<80x128xf32, #tpu.memory_space<vmem_shared>>
      %dma_wait3A_37 = arith.constant 0 : i32
      %dma_wait3A_38 = tpu.memref_slice %arg9[%add3A_13, %dma_wait3A_37] : memref<10240x128xf32, #tpu.memory_space<vmem_shared>> -> memref<80x128xf32, #tpu.memory_space<vmem_shared>>
      tpu.wait_dma2 semaphore(%run_scoped3A : memref<!tpu.dma_semaphore, #tpu.memory_space<semaphore_mem>>) src(%arg8 : memref<80x128xf32, #tpu.memory_space<vmem>>) dst(%dma_wait3A_38 : memref<80x128xf32, #tpu.memory_space<vmem_shared>>)
      tpu.yield
    }) : () -> ()
    %add3A_14 = arith.constant 240 : i32
    %add3A_15 = arith.addi %mul3A_7, %add3A_14 : i32
    "tpu.region"() ({
      %run_scoped3A = tpu.sem_alloc : memref<!tpu.dma_semaphore, #tpu.memory_space<semaphore_mem>>
      %dma_start3A = arith.constant 0 : i32
      %dma_start3A_33 = tpu.memref_slice %arg9[%add3A_15, %dma_start3A] : memref<10240x128xf32, #tpu.memory_space<vmem_shared>> -> memref<80x128xf32, #tpu.memory_space<vmem_shared>>
      %dma_start3A_34 = arith.constant 0 : i32
      %dma_start3A_35 = tpu.memref_slice %arg9[%add3A_15, %dma_start3A_34] : memref<10240x128xf32, #tpu.memory_space<vmem_shared>> -> memref<80x128xf32, #tpu.memory_space<vmem_shared>>
      tpu.enqueue_dma source(%arg8 : memref<80x128xf32, #tpu.memory_space<vmem>>) target(%dma_start3A_35 : memref<80x128xf32, #tpu.memory_space<vmem_shared>>) target_semaphore(%run_scoped3A : memref<!tpu.dma_semaphore, #tpu.memory_space<semaphore_mem>>)
      %dma_wait3A = arith.constant 0 : i32
      %dma_wait3A_36 = tpu.memref_slice %arg9[%add3A_15, %dma_wait3A] : memref<10240x128xf32, #tpu.memory_space<vmem_shared>> -> memref<80x128xf32, #tpu.memory_space<vmem_shared>>
      %dma_wait3A_37 = arith.constant 0 : i32
      %dma_wait3A_38 = tpu.memref_slice %arg9[%add3A_15, %dma_wait3A_37] : memref<10240x128xf32, #tpu.memory_space<vmem_shared>> -> memref<80x128xf32, #tpu.memory_space<vmem_shared>>
      tpu.wait_dma2 semaphore(%run_scoped3A : memref<!tpu.dma_semaphore, #tpu.memory_space<semaphore_mem>>) src(%arg8 : memref<80x128xf32, #tpu.memory_space<vmem>>) dst(%dma_wait3A_38 : memref<80x128xf32, #tpu.memory_space<vmem_shared>>)
      tpu.yield
    }) : () -> ()
    %add3A_16 = arith.constant 320 : i32
    %add3A_17 = arith.addi %mul3A_7, %add3A_16 : i32
    "tpu.region"() ({
      %run_scoped3A = tpu.sem_alloc : memref<!tpu.dma_semaphore, #tpu.memory_space<semaphore_mem>>
      %dma_start3A = arith.constant 0 : i32
      %dma_start3A_33 = tpu.memref_slice %arg9[%add3A_17, %dma_start3A] : memref<10240x128xf32, #tpu.memory_space<vmem_shared>> -> memref<80x128xf32, #tpu.memory_space<vmem_shared>>
      %dma_start3A_34 = arith.constant 0 : i32
      %dma_start3A_35 = tpu.memref_slice %arg9[%add3A_17, %dma_start3A_34] : memref<10240x128xf32, #tpu.memory_space<vmem_shared>> -> memref<80x128xf32, #tpu.memory_space<vmem_shared>>
      tpu.enqueue_dma source(%arg8 : memref<80x128xf32, #tpu.memory_space<vmem>>) target(%dma_start3A_35 : memref<80x128xf32, #tpu.memory_space<vmem_shared>>) target_semaphore(%run_scoped3A : memref<!tpu.dma_semaphore, #tpu.memory_space<semaphore_mem>>)
      %dma_wait3A = arith.constant 0 : i32
      %dma_wait3A_36 = tpu.memref_slice %arg9[%add3A_17, %dma_wait3A] : memref<10240x128xf32, #tpu.memory_space<vmem_shared>> -> memref<80x128xf32, #tpu.memory_space<vmem_shared>>
      %dma_wait3A_37 = arith.constant 0 : i32
      %dma_wait3A_38 = tpu.memref_slice %arg9[%add3A_17, %dma_wait3A_37] : memref<10240x128xf32, #tpu.memory_space<vmem_shared>> -> memref<80x128xf32, #tpu.memory_space<vmem_shared>>
      tpu.wait_dma2 semaphore(%run_scoped3A : memref<!tpu.dma_semaphore, #tpu.memory_space<semaphore_mem>>) src(%arg8 : memref<80x128xf32, #tpu.memory_space<vmem>>) dst(%dma_wait3A_38 : memref<80x128xf32, #tpu.memory_space<vmem_shared>>)
      tpu.yield
    }) : () -> ()
    %add3A_18 = arith.constant 400 : i32
    %add3A_19 = arith.addi %mul3A_7, %add3A_18 : i32
    "tpu.region"() ({
      %run_scoped3A = tpu.sem_alloc : memref<!tpu.dma_semaphore, #tpu.memory_space<semaphore_mem>>
      %dma_start3A = arith.constant 0 : i32
      %dma_start3A_33 = tpu.memref_slice %arg9[%add3A_19, %dma_start3A] : memref<10240x128xf32, #tpu.memory_space<vmem_shared>> -> memref<80x128xf32, #tpu.memory_space<vmem_shared>>
      %dma_start3A_34 = arith.constant 0 : i32
      %dma_start3A_35 = tpu.memref_slice %arg9[%add3A_19, %dma_start3A_34] : memref<10240x128xf32, #tpu.memory_space<vmem_shared>> -> memref<80x128xf32, #tpu.memory_space<vmem_shared>>
      tpu.enqueue_dma source(%arg8 : memref<80x128xf32, #tpu.memory_space<vmem>>) target(%dma_start3A_35 : memref<80x128xf32, #tpu.memory_space<vmem_shared>>) target_semaphore(%run_scoped3A : memref<!tpu.dma_semaphore, #tpu.memory_space<semaphore_mem>>)
      %dma_wait3A = arith.constant 0 : i32
      %dma_wait3A_36 = tpu.memref_slice %arg9[%add3A_19, %dma_wait3A] : memref<10240x128xf32, #tpu.memory_space<vmem_shared>> -> memref<80x128xf32, #tpu.memory_space<vmem_shared>>
      %dma_wait3A_37 = arith.constant 0 : i32
      %dma_wait3A_38 = tpu.memref_slice %arg9[%add3A_19, %dma_wait3A_37] : memref<10240x128xf32, #tpu.memory_space<vmem_shared>> -> memref<80x128xf32, #tpu.memory_space<vmem_shared>>
      tpu.wait_dma2 semaphore(%run_scoped3A : memref<!tpu.dma_semaphore, #tpu.memory_space<semaphore_mem>>) src(%arg8 : memref<80x128xf32, #tpu.memory_space<vmem>>) dst(%dma_wait3A_38 : memref<80x128xf32, #tpu.memory_space<vmem_shared>>)
      tpu.yield
    }) : () -> ()
    %add3A_20 = arith.constant 480 : i32
    %add3A_21 = arith.addi %mul3A_7, %add3A_20 : i32
    "tpu.region"() ({
      %run_scoped3A = tpu.sem_alloc : memref<!tpu.dma_semaphore, #tpu.memory_space<semaphore_mem>>
      %dma_start3A = arith.constant 0 : i32
      %dma_start3A_33 = tpu.memref_slice %arg9[%add3A_21, %dma_start3A] : memref<10240x128xf32, #tpu.memory_space<vmem_shared>> -> memref<80x128xf32, #tpu.memory_space<vmem_shared>>
      %dma_start3A_34 = arith.constant 0 : i32
      %dma_start3A_35 = tpu.memref_slice %arg9[%add3A_21, %dma_start3A_34] : memref<10240x128xf32, #tpu.memory_space<vmem_shared>> -> memref<80x128xf32, #tpu.memory_space<vmem_shared>>
      tpu.enqueue_dma source(%arg8 : memref<80x128xf32, #tpu.memory_space<vmem>>) target(%dma_start3A_35 : memref<80x128xf32, #tpu.memory_space<vmem_shared>>) target_semaphore(%run_scoped3A : memref<!tpu.dma_semaphore, #tpu.memory_space<semaphore_mem>>)
      %dma_wait3A = arith.constant 0 : i32
      %dma_wait3A_36 = tpu.memref_slice %arg9[%add3A_21, %dma_wait3A] : memref<10240x128xf32, #tpu.memory_space<vmem_shared>> -> memref<80x128xf32, #tpu.memory_space<vmem_shared>>
      %dma_wait3A_37 = arith.constant 0 : i32
      %dma_wait3A_38 = tpu.memref_slice %arg9[%add3A_21, %dma_wait3A_37] : memref<10240x128xf32, #tpu.memory_space<vmem_shared>> -> memref<80x128xf32, #tpu.memory_space<vmem_shared>>
      tpu.wait_dma2 semaphore(%run_scoped3A : memref<!tpu.dma_semaphore, #tpu.memory_space<semaphore_mem>>) src(%arg8 : memref<80x128xf32, #tpu.memory_space<vmem>>) dst(%dma_wait3A_38 : memref<80x128xf32, #tpu.memory_space<vmem_shared>>)
      tpu.yield
    }) : () -> ()
    %add3A_22 = arith.constant 560 : i32
    %add3A_23 = arith.addi %mul3A_7, %add3A_22 : i32
    "tpu.region"() ({
      %run_scoped3A = tpu.sem_alloc : memref<!tpu.dma_semaphore, #tpu.memory_space<semaphore_mem>>
      %dma_start3A = arith.constant 0 : i32
      %dma_start3A_33 = tpu.memref_slice %arg9[%add3A_23, %dma_start3A] : memref<10240x128xf32, #tpu.memory_space<vmem_shared>> -> memref<80x128xf32, #tpu.memory_space<vmem_shared>>
      %dma_start3A_34 = arith.constant 0 : i32
      %dma_start3A_35 = tpu.memref_slice %arg9[%add3A_23, %dma_start3A_34] : memref<10240x128xf32, #tpu.memory_space<vmem_shared>> -> memref<80x128xf32, #tpu.memory_space<vmem_shared>>
      tpu.enqueue_dma source(%arg8 : memref<80x128xf32, #tpu.memory_space<vmem>>) target(%dma_start3A_35 : memref<80x128xf32, #tpu.memory_space<vmem_shared>>) target_semaphore(%run_scoped3A : memref<!tpu.dma_semaphore, #tpu.memory_space<semaphore_mem>>)
      %dma_wait3A = arith.constant 0 : i32
      %dma_wait3A_36 = tpu.memref_slice %arg9[%add3A_23, %dma_wait3A] : memref<10240x128xf32, #tpu.memory_space<vmem_shared>> -> memref<80x128xf32, #tpu.memory_space<vmem_shared>>
      %dma_wait3A_37 = arith.constant 0 : i32
      %dma_wait3A_38 = tpu.memref_slice %arg9[%add3A_23, %dma_wait3A_37] : memref<10240x128xf32, #tpu.memory_space<vmem_shared>> -> memref<80x128xf32, #tpu.memory_space<vmem_shared>>
      tpu.wait_dma2 semaphore(%run_scoped3A : memref<!tpu.dma_semaphore, #tpu.memory_space<semaphore_mem>>) src(%arg8 : memref<80x128xf32, #tpu.memory_space<vmem>>) dst(%dma_wait3A_38 : memref<80x128xf32, #tpu.memory_space<vmem_shared>>)
      tpu.yield
    }) : () -> ()
    %barrier3A = arith.constant 0 : index
    tpu.barrier barrier_id(%barrier3A)
    %scan3A_24 = arith.constant 0 : i32
    %scan3A_25 = arith.constant 0 : i32
    %scan3A_26 = arith.constant 125 : i32
    %scan3A_27 = arith.addi %scan3A_25, %scan3A_26 : i32
    %scan3A_28 = arith.constant 1 : i32
    scf.for %scan3A_33 = %scan3A_25 to %scan3A_27 step %scan3A_28  : i32 {
      %mul3A_34 = arith.constant 10000 : i32
      %mul3A_35 = arith.muli %add3A, %mul3A_34 : i32
      %mul3A_36 = arith.constant 80 : i32
      %mul3A_37 = arith.muli %scan3A_33, %mul3A_36 : i32
      %add3A_38 = arith.addi %mul3A_35, %mul3A_37 : i32
      "tpu.region"() ({
        %run_scoped3A = tpu.sem_alloc : memref<!tpu.dma_semaphore, #tpu.memory_space<semaphore_mem>>
        %dma_start3A_43 = tpu.memref_slice %arg3[%add3A_38] : memref<320000xi32, #tpu.memory_space<hbm>> -> memref<80xi32, #tpu.memory_space<hbm>>
        %dma_start3A_44 = tpu.memref_slice %arg3[%add3A_38] : memref<320000xi32, #tpu.memory_space<hbm>> -> memref<80xi32, #tpu.memory_space<hbm>>
        tpu.enqueue_dma source(%dma_start3A_44 : memref<80xi32, #tpu.memory_space<hbm>>) target(%arg6 : memref<80xi32, #tpu.memory_space<vmem>>) target_semaphore(%run_scoped3A : memref<!tpu.dma_semaphore, #tpu.memory_space<semaphore_mem>>)
        %dma_wait3A_45 = tpu.memref_slice %arg3[%add3A_38] : memref<320000xi32, #tpu.memory_space<hbm>> -> memref<80xi32, #tpu.memory_space<hbm>>
        %dma_wait3A_46 = tpu.memref_slice %arg3[%add3A_38] : memref<320000xi32, #tpu.memory_space<hbm>> -> memref<80xi32, #tpu.memory_space<hbm>>
        tpu.wait_dma2 semaphore(%run_scoped3A : memref<!tpu.dma_semaphore, #tpu.memory_space<semaphore_mem>>) src(%dma_wait3A_46 : memref<80xi32, #tpu.memory_space<hbm>>) dst(%arg6 : memref<80xi32, #tpu.memory_space<vmem>>)
        tpu.yield
      }) : () -> ()
      "tpu.region"() ({
        %run_scoped3A = tpu.sem_alloc : memref<!tpu.dma_semaphore, #tpu.memory_space<semaphore_mem>>
        %dma_start3A_43 = tpu.memref_slice %arg4[%add3A_38] : memref<320000xi32, #tpu.memory_space<hbm>> -> memref<80xi32, #tpu.memory_space<hbm>>
        %dma_start3A_44 = tpu.memref_slice %arg4[%add3A_38] : memref<320000xi32, #tpu.memory_space<hbm>> -> memref<80xi32, #tpu.memory_space<hbm>>
        tpu.enqueue_dma source(%dma_start3A_44 : memref<80xi32, #tpu.memory_space<hbm>>) target(%arg7 : memref<80xi32, #tpu.memory_space<vmem>>) target_semaphore(%run_scoped3A : memref<!tpu.dma_semaphore, #tpu.memory_space<semaphore_mem>>)
        %dma_wait3A_45 = tpu.memref_slice %arg4[%add3A_38] : memref<320000xi32, #tpu.memory_space<hbm>> -> memref<80xi32, #tpu.memory_space<hbm>>
        %dma_wait3A_46 = tpu.memref_slice %arg4[%add3A_38] : memref<320000xi32, #tpu.memory_space<hbm>> -> memref<80xi32, #tpu.memory_space<hbm>>
        tpu.wait_dma2 semaphore(%run_scoped3A : memref<!tpu.dma_semaphore, #tpu.memory_space<semaphore_mem>>) src(%dma_wait3A_46 : memref<80xi32, #tpu.memory_space<hbm>>) dst(%arg7 : memref<80xi32, #tpu.memory_space<vmem>>)
        tpu.yield
      }) : () -> ()
      %dma_start3A = arith.constant 0 : i32
      %dma_start3A_39 = arith.constant 0 : i32
      %dma_start3A_40 = tpu.memref_slice %arg2[%dma_start3A, %dma_start3A_39] : memref<10240x128xf32, #tpu.memory_space<hbm>> -> memref<10240x128xf32, #tpu.memory_space<hbm>>
      tpu.enqueue_indirect_dma source(%dma_start3A_40 : memref<10240x128xf32, #tpu.memory_space<hbm>>) target(%arg8 : memref<80x128xf32, #tpu.memory_space<vmem>>) offsets(%arg6 : memref<80xi32, #tpu.memory_space<vmem>>) semaphore(%arg10 : memref<!tpu.dma_semaphore, #tpu.memory_space<semaphore_mem>>)
      %dma_wait3A = arith.constant 0 : i32
      %dma_wait3A_41 = arith.constant 0 : i32
      %dma_wait3A_42 = tpu.memref_slice %arg2[%dma_wait3A, %dma_wait3A_41] : memref<10240x128xf32, #tpu.memory_space<hbm>> -> memref<10240x128xf32, #tpu.memory_space<hbm>>
      tpu.wait_indirect_dma semaphore(%arg10 : memref<!tpu.dma_semaphore, #tpu.memory_space<semaphore_mem>>) src(%dma_wait3A_42 : memref<10240x128xf32, #tpu.memory_space<hbm>>) dst(%arg8 : memref<80x128xf32, #tpu.memory_space<vmem>>)
      "tpu.region"() ({
        %run_scoped3A = tpu.sem_alloc : memref<!tpu.dma_semaphore, #tpu.memory_space<semaphore_mem>>
        %dma_start3A_43 = arith.constant 0 : i32
        %dma_start3A_44 = arith.constant 0 : i32
        %dma_start3A_45 = tpu.memref_slice %arg9[%dma_start3A_43, %dma_start3A_44] : memref<10240x128xf32, #tpu.memory_space<vmem_shared>> -> memref<10240x128xf32, #tpu.memory_space<vmem_shared>>
        tpu.enqueue_indirect_dma source(%arg8 : memref<80x128xf32, #tpu.memory_space<vmem>>) target(%dma_start3A_45 : memref<10240x128xf32, #tpu.memory_space<vmem_shared>>) offsets(%arg7 : memref<80xi32, #tpu.memory_space<vmem>>) semaphore(%run_scoped3A : memref<!tpu.dma_semaphore, #tpu.memory_space<semaphore_mem>>) {add = true}
        %dma_wait3A_46 = arith.constant 0 : i32
        %dma_wait3A_47 = arith.constant 0 : i32
        %dma_wait3A_48 = tpu.memref_slice %arg9[%dma_wait3A_46, %dma_wait3A_47] : memref<10240x128xf32, #tpu.memory_space<vmem_shared>> -> memref<10240x128xf32, #tpu.memory_space<vmem_shared>>
        tpu.wait_indirect_dma semaphore(%run_scoped3A : memref<!tpu.dma_semaphore, #tpu.memory_space<semaphore_mem>>) src(%arg8 : memref<80x128xf32, #tpu.memory_space<vmem>>) dst(%dma_wait3A_48 : memref<10240x128xf32, #tpu.memory_space<vmem_shared>>)
        tpu.yield
      }) : () -> ()
    }
    %scan3A_29 = arith.constant 125 : i32
    %barrier3A_30 = arith.constant 0 : index
    tpu.barrier barrier_id(%barrier3A_30)
    %mul3A_31 = arith.constant 640 : i32
    %mul3A_32 = arith.muli %arg1, %mul3A_31 : i32
    "tpu.region"() ({
      %run_scoped3A = tpu.sem_alloc : memref<!tpu.dma_semaphore, #tpu.memory_space<semaphore_mem>>
      %dma_start3A = arith.constant 0 : i32
      %dma_start3A_33 = tpu.memref_slice %arg5[%arg0, %mul3A_32, %dma_start3A] : memref<2x10240x128xf32, #tpu.memory_space<hbm>> -> memref<1x640x128xf32, #tpu.memory_space<hbm>>
      %dma_start3A_34 = tpu.memref_squeeze %dma_start3A_33 : memref<1x640x128xf32, #tpu.memory_space<hbm>> -> memref<640x128xf32, #tpu.memory_space<hbm>>
      %dma_start3A_35 = arith.constant 0 : i32
      %dma_start3A_36 = tpu.memref_slice %arg9[%mul3A_32, %dma_start3A_35] : memref<10240x128xf32, #tpu.memory_space<vmem_shared>> -> memref<640x128xf32, #tpu.memory_space<vmem_shared>>
      tpu.enqueue_dma source(%dma_start3A_36 : memref<640x128xf32, #tpu.memory_space<vmem_shared>>) target(%dma_start3A_34 : memref<640x128xf32, #tpu.memory_space<hbm>>) target_semaphore(%run_scoped3A : memref<!tpu.dma_semaphore, #tpu.memory_space<semaphore_mem>>)
      %dma_wait3A = arith.constant 0 : i32
      %dma_wait3A_37 = tpu.memref_slice %arg5[%arg0, %mul3A_32, %dma_wait3A] : memref<2x10240x128xf32, #tpu.memory_space<hbm>> -> memref<1x640x128xf32, #tpu.memory_space<hbm>>
      %dma_wait3A_38 = tpu.memref_squeeze %dma_wait3A_37 : memref<1x640x128xf32, #tpu.memory_space<hbm>> -> memref<640x128xf32, #tpu.memory_space<hbm>>
      %dma_wait3A_39 = arith.constant 0 : i32
      %dma_wait3A_40 = tpu.memref_slice %arg9[%mul3A_32, %dma_wait3A_39] : memref<10240x128xf32, #tpu.memory_space<vmem_shared>> -> memref<640x128xf32, #tpu.memory_space<vmem_shared>>
      tpu.wait_dma2 semaphore(%run_scoped3A : memref<!tpu.dma_semaphore, #tpu.memory_space<semaphore_mem>>) src(%dma_wait3A_40 : memref<640x128xf32, #tpu.memory_space<vmem_shared>>) dst(%dma_wait3A_38 : memref<640x128xf32, #tpu.memory_space<hbm>>)
      tpu.yield
    }) : () -> ()
    return
  }
}

#map = affine_map<(d0, d1) -> (0)>
#map1 = affine_map<(d0, d1) -> (0, 0, 0, 0)>
module attributes {stable_mosaic.version = 14 : i64} {
  func.func @_deg_body(%arg0: i32, %arg1: i32, %arg2: memref<320000xi32, #tpu.memory_space<hbm>>, %arg3: memref<320000xi32, #tpu.memory_space<hbm>>, %arg4: memref<2x2x10240x128xf32, #tpu.memory_space<hbm>>, %arg5: memref<80xi32, #tpu.memory_space<vmem>>, %arg6: memref<80x128xf32, #tpu.memory_space<vmem>>, %arg7: memref<80x128xf32, #tpu.memory_space<vmem>>, %arg8: memref<10240x128xf32, #tpu.memory_space<vmem_shared>>) attributes {dimension_semantics = [#tpu.dimension_semantics<core_parallel>, #tpu.dimension_semantics<subcore_parallel>], iteration_bounds = array<i64: 2, 16>, scalar_prefetch = 0 : i64, scratch_operands = 4 : i64, tpu.core_type = #tpu.core_type<sc_vector_subcore>, window_params = [{transform_indices = #map}, {transform_indices = #map}, {transform_indices = #map1}]} {
    %mul3A = arith.constant 2 : i32
    %mul3A_0 = arith.muli %arg1, %mul3A : i32
    %add3A = arith.addi %mul3A_0, %arg0 : i32
    %mul3A_1 = arith.constant 640 : i32
    %mul3A_2 = arith.muli %arg1, %mul3A_1 : i32
    %scan3A = arith.constant 0 : i32
    %scan3A_3 = arith.constant 0 : i32
    %scan3A_4 = arith.constant 80 : i32
    %scan3A_5 = arith.addi %scan3A_3, %scan3A_4 : i32
    %scan3A_6 = arith.constant 1 : i32
    scf.for %scan3A_68 = %scan3A_3 to %scan3A_5 step %scan3A_6  : i32 {
      %broadcast_in_dim3A = arith.constant 0.000000e+00 : f32
      %broadcast_in_dim3A_69 = vector.broadcast %broadcast_in_dim3A : f32 to vector<16xf32>
      %swap3A = arith.index_cast %scan3A_68 : i32 to index
      %swap3A_70 = arith.constant 0 : index
      %swap3A_71 = tpu.vector_load %arg7[%swap3A, %swap3A_70] {strides = array<i32>} : memref<80x128xf32, #tpu.memory_space<vmem>>, vector<1x16xf32>,
      %swap3A_72 = vector.shape_cast %swap3A_71 : vector<1x16xf32> to vector<16xf32>
      %swap3A_73 = vector.shape_cast %broadcast_in_dim3A_69 : vector<16xf32> to vector<1x16xf32>
      tpu.vector_store %arg7[%swap3A, %swap3A_70], %swap3A_73 {strides = array<i32>} : memref<80x128xf32, #tpu.memory_space<vmem>>, vector<1x16xf32>,
      %broadcast_in_dim3A_74 = arith.constant 0.000000e+00 : f32
      %broadcast_in_dim3A_75 = vector.broadcast %broadcast_in_dim3A_74 : f32 to vector<16xf32>
      %swap3A_76 = arith.index_cast %scan3A_68 : i32 to index
      %swap3A_77 = arith.constant 16 : index
      %swap3A_78 = tpu.vector_load %arg7[%swap3A_76, %swap3A_77] {strides = array<i32>} : memref<80x128xf32, #tpu.memory_space<vmem>>, vector<1x16xf32>,
      %swap3A_79 = vector.shape_cast %swap3A_78 : vector<1x16xf32> to vector<16xf32>
      %swap3A_80 = vector.shape_cast %broadcast_in_dim3A_75 : vector<16xf32> to vector<1x16xf32>
      tpu.vector_store %arg7[%swap3A_76, %swap3A_77], %swap3A_80 {strides = array<i32>} : memref<80x128xf32, #tpu.memory_space<vmem>>, vector<1x16xf32>,
      %broadcast_in_dim3A_81 = arith.constant 0.000000e+00 : f32
      %broadcast_in_dim3A_82 = vector.broadcast %broadcast_in_dim3A_81 : f32 to vector<16xf32>
      %swap3A_83 = arith.index_cast %scan3A_68 : i32 to index
      %swap3A_84 = arith.constant 32 : index
      %swap3A_85 = tpu.vector_load %arg7[%swap3A_83, %swap3A_84] {strides = array<i32>} : memref<80x128xf32, #tpu.memory_space<vmem>>, vector<1x16xf32>,
      %swap3A_86 = vector.shape_cast %swap3A_85 : vector<1x16xf32> to vector<16xf32>
      %swap3A_87 = vector.shape_cast %broadcast_in_dim3A_82 : vector<16xf32> to vector<1x16xf32>
      tpu.vector_store %arg7[%swap3A_83, %swap3A_84], %swap3A_87 {strides = array<i32>} : memref<80x128xf32, #tpu.memory_space<vmem>>, vector<1x16xf32>,
      %broadcast_in_dim3A_88 = arith.constant 0.000000e+00 : f32
      %broadcast_in_dim3A_89 = vector.broadcast %broadcast_in_dim3A_88 : f32 to vector<16xf32>
      %swap3A_90 = arith.index_cast %scan3A_68 : i32 to index
      %swap3A_91 = arith.constant 48 : index
      %swap3A_92 = tpu.vector_load %arg7[%swap3A_90, %swap3A_91] {strides = array<i32>} : memref<80x128xf32, #tpu.memory_space<vmem>>, vector<1x16xf32>,
      %swap3A_93 = vector.shape_cast %swap3A_92 : vector<1x16xf32> to vector<16xf32>
      %swap3A_94 = vector.shape_cast %broadcast_in_dim3A_89 : vector<16xf32> to vector<1x16xf32>
      tpu.vector_store %arg7[%swap3A_90, %swap3A_91], %swap3A_94 {strides = array<i32>} : memref<80x128xf32, #tpu.memory_space<vmem>>, vector<1x16xf32>,
      %broadcast_in_dim3A_95 = arith.constant 0.000000e+00 : f32
      %broadcast_in_dim3A_96 = vector.broadcast %broadcast_in_dim3A_95 : f32 to vector<16xf32>
      %swap3A_97 = arith.index_cast %scan3A_68 : i32 to index
      %swap3A_98 = arith.constant 64 : index
      %swap3A_99 = tpu.vector_load %arg7[%swap3A_97, %swap3A_98] {strides = array<i32>} : memref<80x128xf32, #tpu.memory_space<vmem>>, vector<1x16xf32>,
      %swap3A_100 = vector.shape_cast %swap3A_99 : vector<1x16xf32> to vector<16xf32>
      %swap3A_101 = vector.shape_cast %broadcast_in_dim3A_96 : vector<16xf32> to vector<1x16xf32>
      tpu.vector_store %arg7[%swap3A_97, %swap3A_98], %swap3A_101 {strides = array<i32>} : memref<80x128xf32, #tpu.memory_space<vmem>>, vector<1x16xf32>,
      %broadcast_in_dim3A_102 = arith.constant 0.000000e+00 : f32
      %broadcast_in_dim3A_103 = vector.broadcast %broadcast_in_dim3A_102 : f32 to vector<16xf32>
      %swap3A_104 = arith.index_cast %scan3A_68 : i32 to index
      %swap3A_105 = arith.constant 80 : index
      %swap3A_106 = tpu.vector_load %arg7[%swap3A_104, %swap3A_105] {strides = array<i32>} : memref<80x128xf32, #tpu.memory_space<vmem>>, vector<1x16xf32>,
      %swap3A_107 = vector.shape_cast %swap3A_106 : vector<1x16xf32> to vector<16xf32>
      %swap3A_108 = vector.shape_cast %broadcast_in_dim3A_103 : vector<16xf32> to vector<1x16xf32>
      tpu.vector_store %arg7[%swap3A_104, %swap3A_105], %swap3A_108 {strides = array<i32>} : memref<80x128xf32, #tpu.memory_space<vmem>>, vector<1x16xf32>,
      %broadcast_in_dim3A_109 = arith.constant 0.000000e+00 : f32
      %broadcast_in_dim3A_110 = vector.broadcast %broadcast_in_dim3A_109 : f32 to vector<16xf32>
      %swap3A_111 = arith.index_cast %scan3A_68 : i32 to index
      %swap3A_112 = arith.constant 96 : index
      %swap3A_113 = tpu.vector_load %arg7[%swap3A_111, %swap3A_112] {strides = array<i32>} : memref<80x128xf32, #tpu.memory_space<vmem>>, vector<1x16xf32>,
      %swap3A_114 = vector.shape_cast %swap3A_113 : vector<1x16xf32> to vector<16xf32>
      %swap3A_115 = vector.shape_cast %broadcast_in_dim3A_110 : vector<16xf32> to vector<1x16xf32>
      tpu.vector_store %arg7[%swap3A_111, %swap3A_112], %swap3A_115 {strides = array<i32>} : memref<80x128xf32, #tpu.memory_space<vmem>>, vector<1x16xf32>,
      %broadcast_in_dim3A_116 = arith.constant 0.000000e+00 : f32
      %broadcast_in_dim3A_117 = vector.broadcast %broadcast_in_dim3A_116 : f32 to vector<16xf32>
      %swap3A_118 = arith.index_cast %scan3A_68 : i32 to index
      %swap3A_119 = arith.constant 112 : index
      %swap3A_120 = tpu.vector_load %arg7[%swap3A_118, %swap3A_119] {strides = array<i32>} : memref<80x128xf32, #tpu.memory_space<vmem>>, vector<1x16xf32>,
      %swap3A_121 = vector.shape_cast %swap3A_120 : vector<1x16xf32> to vector<16xf32>
      %swap3A_122 = vector.shape_cast %broadcast_in_dim3A_117 : vector<16xf32> to vector<1x16xf32>
      tpu.vector_store %arg7[%swap3A_118, %swap3A_119], %swap3A_122 {strides = array<i32>} : memref<80x128xf32, #tpu.memory_space<vmem>>, vector<1x16xf32>,
    }
    %scan3A_7 = arith.constant 80 : i32
    %scan3A_8 = arith.constant 0 : i32
    %scan3A_9 = arith.constant 0 : i32
    %scan3A_10 = arith.constant 80 : i32
    %scan3A_11 = arith.addi %scan3A_9, %scan3A_10 : i32
    %scan3A_12 = arith.constant 1 : i32
    scf.for %scan3A_68 = %scan3A_9 to %scan3A_11 step %scan3A_12  : i32 {
      %broadcast_in_dim3A = arith.constant 1.000000e+00 : f32
      %broadcast_in_dim3A_69 = vector.broadcast %broadcast_in_dim3A : f32 to vector<16xf32>
      %swap3A = arith.index_cast %scan3A_68 : i32 to index
      %swap3A_70 = arith.constant 0 : index
      %swap3A_71 = tpu.vector_load %arg6[%swap3A, %swap3A_70] {strides = array<i32>} : memref<80x128xf32, #tpu.memory_space<vmem>>, vector<1x16xf32>,
      %swap3A_72 = vector.shape_cast %swap3A_71 : vector<1x16xf32> to vector<16xf32>
      %swap3A_73 = vector.shape_cast %broadcast_in_dim3A_69 : vector<16xf32> to vector<1x16xf32>
      tpu.vector_store %arg6[%swap3A, %swap3A_70], %swap3A_73 {strides = array<i32>} : memref<80x128xf32, #tpu.memory_space<vmem>>, vector<1x16xf32>,
      %broadcast_in_dim3A_74 = arith.constant 1.000000e+00 : f32
      %broadcast_in_dim3A_75 = vector.broadcast %broadcast_in_dim3A_74 : f32 to vector<16xf32>
      %swap3A_76 = arith.index_cast %scan3A_68 : i32 to index
      %swap3A_77 = arith.constant 16 : index
      %swap3A_78 = tpu.vector_load %arg6[%swap3A_76, %swap3A_77] {strides = array<i32>} : memref<80x128xf32, #tpu.memory_space<vmem>>, vector<1x16xf32>,
      %swap3A_79 = vector.shape_cast %swap3A_78 : vector<1x16xf32> to vector<16xf32>
      %swap3A_80 = vector.shape_cast %broadcast_in_dim3A_75 : vector<16xf32> to vector<1x16xf32>
      tpu.vector_store %arg6[%swap3A_76, %swap3A_77], %swap3A_80 {strides = array<i32>} : memref<80x128xf32, #tpu.memory_space<vmem>>, vector<1x16xf32>,
      %broadcast_in_dim3A_81 = arith.constant 1.000000e+00 : f32
      %broadcast_in_dim3A_82 = vector.broadcast %broadcast_in_dim3A_81 : f32 to vector<16xf32>
      %swap3A_83 = arith.index_cast %scan3A_68 : i32 to index
      %swap3A_84 = arith.constant 32 : index
      %swap3A_85 = tpu.vector_load %arg6[%swap3A_83, %swap3A_84] {strides = array<i32>} : memref<80x128xf32, #tpu.memory_space<vmem>>, vector<1x16xf32>,
      %swap3A_86 = vector.shape_cast %swap3A_85 : vector<1x16xf32> to vector<16xf32>
      %swap3A_87 = vector.shape_cast %broadcast_in_dim3A_82 : vector<16xf32> to vector<1x16xf32>
      tpu.vector_store %arg6[%swap3A_83, %swap3A_84], %swap3A_87 {strides = array<i32>} : memref<80x128xf32, #tpu.memory_space<vmem>>, vector<1x16xf32>,
      %broadcast_in_dim3A_88 = arith.constant 1.000000e+00 : f32
      %broadcast_in_dim3A_89 = vector.broadcast %broadcast_in_dim3A_88 : f32 to vector<16xf32>
      %swap3A_90 = arith.index_cast %scan3A_68 : i32 to index
      %swap3A_91 = arith.constant 48 : index
      %swap3A_92 = tpu.vector_load %arg6[%swap3A_90, %swap3A_91] {strides = array<i32>} : memref<80x128xf32, #tpu.memory_space<vmem>>, vector<1x16xf32>,
      %swap3A_93 = vector.shape_cast %swap3A_92 : vector<1x16xf32> to vector<16xf32>
      %swap3A_94 = vector.shape_cast %broadcast_in_dim3A_89 : vector<16xf32> to vector<1x16xf32>
      tpu.vector_store %arg6[%swap3A_90, %swap3A_91], %swap3A_94 {strides = array<i32>} : memref<80x128xf32, #tpu.memory_space<vmem>>, vector<1x16xf32>,
      %broadcast_in_dim3A_95 = arith.constant 1.000000e+00 : f32
      %broadcast_in_dim3A_96 = vector.broadcast %broadcast_in_dim3A_95 : f32 to vector<16xf32>
      %swap3A_97 = arith.index_cast %scan3A_68 : i32 to index
      %swap3A_98 = arith.constant 64 : index
      %swap3A_99 = tpu.vector_load %arg6[%swap3A_97, %swap3A_98] {strides = array<i32>} : memref<80x128xf32, #tpu.memory_space<vmem>>, vector<1x16xf32>,
      %swap3A_100 = vector.shape_cast %swap3A_99 : vector<1x16xf32> to vector<16xf32>
      %swap3A_101 = vector.shape_cast %broadcast_in_dim3A_96 : vector<16xf32> to vector<1x16xf32>
      tpu.vector_store %arg6[%swap3A_97, %swap3A_98], %swap3A_101 {strides = array<i32>} : memref<80x128xf32, #tpu.memory_space<vmem>>, vector<1x16xf32>,
      %broadcast_in_dim3A_102 = arith.constant 1.000000e+00 : f32
      %broadcast_in_dim3A_103 = vector.broadcast %broadcast_in_dim3A_102 : f32 to vector<16xf32>
      %swap3A_104 = arith.index_cast %scan3A_68 : i32 to index
      %swap3A_105 = arith.constant 80 : index
      %swap3A_106 = tpu.vector_load %arg6[%swap3A_104, %swap3A_105] {strides = array<i32>} : memref<80x128xf32, #tpu.memory_space<vmem>>, vector<1x16xf32>,
      %swap3A_107 = vector.shape_cast %swap3A_106 : vector<1x16xf32> to vector<16xf32>
      %swap3A_108 = vector.shape_cast %broadcast_in_dim3A_103 : vector<16xf32> to vector<1x16xf32>
      tpu.vector_store %arg6[%swap3A_104, %swap3A_105], %swap3A_108 {strides = array<i32>} : memref<80x128xf32, #tpu.memory_space<vmem>>, vector<1x16xf32>,
      %broadcast_in_dim3A_109 = arith.constant 1.000000e+00 : f32
      %broadcast_in_dim3A_110 = vector.broadcast %broadcast_in_dim3A_109 : f32 to vector<16xf32>
      %swap3A_111 = arith.index_cast %scan3A_68 : i32 to index
      %swap3A_112 = arith.constant 96 : index
      %swap3A_113 = tpu.vector_load %arg6[%swap3A_111, %swap3A_112] {strides = array<i32>} : memref<80x128xf32, #tpu.memory_space<vmem>>, vector<1x16xf32>,
      %swap3A_114 = vector.shape_cast %swap3A_113 : vector<1x16xf32> to vector<16xf32>
      %swap3A_115 = vector.shape_cast %broadcast_in_dim3A_110 : vector<16xf32> to vector<1x16xf32>
      tpu.vector_store %arg6[%swap3A_111, %swap3A_112], %swap3A_115 {strides = array<i32>} : memref<80x128xf32, #tpu.memory_space<vmem>>, vector<1x16xf32>,
      %broadcast_in_dim3A_116 = arith.constant 1.000000e+00 : f32
      %broadcast_in_dim3A_117 = vector.broadcast %broadcast_in_dim3A_116 : f32 to vector<16xf32>
      %swap3A_118 = arith.index_cast %scan3A_68 : i32 to index
      %swap3A_119 = arith.constant 112 : index
      %swap3A_120 = tpu.vector_load %arg6[%swap3A_118, %swap3A_119] {strides = array<i32>} : memref<80x128xf32, #tpu.memory_space<vmem>>, vector<1x16xf32>,
      %swap3A_121 = vector.shape_cast %swap3A_120 : vector<1x16xf32> to vector<16xf32>
      %swap3A_122 = vector.shape_cast %broadcast_in_dim3A_117 : vector<16xf32> to vector<1x16xf32>
      tpu.vector_store %arg6[%swap3A_118, %swap3A_119], %swap3A_122 {strides = array<i32>} : memref<80x128xf32, #tpu.memory_space<vmem>>, vector<1x16xf32>,
    }
    %scan3A_13 = arith.constant 80 : i32
    %mul3A_14 = arith.constant 640 : i32
    %mul3A_15 = arith.muli %arg1, %mul3A_14 : i32
    %add3A_16 = arith.constant 0 : i32
    %add3A_17 = arith.addi %mul3A_15, %add3A_16 : i32
    "tpu.region"() ({
      %run_scoped3A_68 = tpu.sem_alloc : memref<!tpu.dma_semaphore, #tpu.memory_space<semaphore_mem>>
      %dma_start3A = arith.constant 0 : i32
      %dma_start3A_69 = tpu.memref_slice %arg8[%add3A_17, %dma_start3A] : memref<10240x128xf32, #tpu.memory_space<vmem_shared>> -> memref<80x128xf32, #tpu.memory_space<vmem_shared>>
      %dma_start3A_70 = arith.constant 0 : i32
      %dma_start3A_71 = tpu.memref_slice %arg8[%add3A_17, %dma_start3A_70] : memref<10240x128xf32, #tpu.memory_space<vmem_shared>> -> memref<80x128xf32, #tpu.memory_space<vmem_shared>>
      tpu.enqueue_dma source(%arg7 : memref<80x128xf32, #tpu.memory_space<vmem>>) target(%dma_start3A_71 : memref<80x128xf32, #tpu.memory_space<vmem_shared>>) target_semaphore(%run_scoped3A_68 : memref<!tpu.dma_semaphore, #tpu.memory_space<semaphore_mem>>)
      %dma_wait3A = arith.constant 0 : i32
      %dma_wait3A_72 = tpu.memref_slice %arg8[%add3A_17, %dma_wait3A] : memref<10240x128xf32, #tpu.memory_space<vmem_shared>> -> memref<80x128xf32, #tpu.memory_space<vmem_shared>>
      %dma_wait3A_73 = arith.constant 0 : i32
      %dma_wait3A_74 = tpu.memref_slice %arg8[%add3A_17, %dma_wait3A_73] : memref<10240x128xf32, #tpu.memory_space<vmem_shared>> -> memref<80x128xf32, #tpu.memory_space<vmem_shared>>
      tpu.wait_dma2 semaphore(%run_scoped3A_68 : memref<!tpu.dma_semaphore, #tpu.memory_space<semaphore_mem>>) src(%arg7 : memref<80x128xf32, #tpu.memory_space<vmem>>) dst(%dma_wait3A_74 : memref<80x128xf32, #tpu.memory_space<vmem_shared>>)
      tpu.yield
    }) : () -> ()
    %add3A_18 = arith.constant 80 : i32
    %add3A_19 = arith.addi %mul3A_15, %add3A_18 : i32
    "tpu.region"() ({
      %run_scoped3A_68 = tpu.sem_alloc : memref<!tpu.dma_semaphore, #tpu.memory_space<semaphore_mem>>
      %dma_start3A = arith.constant 0 : i32
      %dma_start3A_69 = tpu.memref_slice %arg8[%add3A_19, %dma_start3A] : memref<10240x128xf32, #tpu.memory_space<vmem_shared>> -> memref<80x128xf32, #tpu.memory_space<vmem_shared>>
      %dma_start3A_70 = arith.constant 0 : i32
      %dma_start3A_71 = tpu.memref_slice %arg8[%add3A_19, %dma_start3A_70] : memref<10240x128xf32, #tpu.memory_space<vmem_shared>> -> memref<80x128xf32, #tpu.memory_space<vmem_shared>>
      tpu.enqueue_dma source(%arg7 : memref<80x128xf32, #tpu.memory_space<vmem>>) target(%dma_start3A_71 : memref<80x128xf32, #tpu.memory_space<vmem_shared>>) target_semaphore(%run_scoped3A_68 : memref<!tpu.dma_semaphore, #tpu.memory_space<semaphore_mem>>)
      %dma_wait3A = arith.constant 0 : i32
      %dma_wait3A_72 = tpu.memref_slice %arg8[%add3A_19, %dma_wait3A] : memref<10240x128xf32, #tpu.memory_space<vmem_shared>> -> memref<80x128xf32, #tpu.memory_space<vmem_shared>>
      %dma_wait3A_73 = arith.constant 0 : i32
      %dma_wait3A_74 = tpu.memref_slice %arg8[%add3A_19, %dma_wait3A_73] : memref<10240x128xf32, #tpu.memory_space<vmem_shared>> -> memref<80x128xf32, #tpu.memory_space<vmem_shared>>
      tpu.wait_dma2 semaphore(%run_scoped3A_68 : memref<!tpu.dma_semaphore, #tpu.memory_space<semaphore_mem>>) src(%arg7 : memref<80x128xf32, #tpu.memory_space<vmem>>) dst(%dma_wait3A_74 : memref<80x128xf32, #tpu.memory_space<vmem_shared>>)
      tpu.yield
    }) : () -> ()
    %add3A_20 = arith.constant 160 : i32
    %add3A_21 = arith.addi %mul3A_15, %add3A_20 : i32
    "tpu.region"() ({
      %run_scoped3A_68 = tpu.sem_alloc : memref<!tpu.dma_semaphore, #tpu.memory_space<semaphore_mem>>
      %dma_start3A = arith.constant 0 : i32
      %dma_start3A_69 = tpu.memref_slice %arg8[%add3A_21, %dma_start3A] : memref<10240x128xf32, #tpu.memory_space<vmem_shared>> -> memref<80x128xf32, #tpu.memory_space<vmem_shared>>
      %dma_start3A_70 = arith.constant 0 : i32
      %dma_start3A_71 = tpu.memref_slice %arg8[%add3A_21, %dma_start3A_70] : memref<10240x128xf32, #tpu.memory_space<vmem_shared>> -> memref<80x128xf32, #tpu.memory_space<vmem_shared>>
      tpu.enqueue_dma source(%arg7 : memref<80x128xf32, #tpu.memory_space<vmem>>) target(%dma_start3A_71 : memref<80x128xf32, #tpu.memory_space<vmem_shared>>) target_semaphore(%run_scoped3A_68 : memref<!tpu.dma_semaphore, #tpu.memory_space<semaphore_mem>>)
      %dma_wait3A = arith.constant 0 : i32
      %dma_wait3A_72 = tpu.memref_slice %arg8[%add3A_21, %dma_wait3A] : memref<10240x128xf32, #tpu.memory_space<vmem_shared>> -> memref<80x128xf32, #tpu.memory_space<vmem_shared>>
      %dma_wait3A_73 = arith.constant 0 : i32
      %dma_wait3A_74 = tpu.memref_slice %arg8[%add3A_21, %dma_wait3A_73] : memref<10240x128xf32, #tpu.memory_space<vmem_shared>> -> memref<80x128xf32, #tpu.memory_space<vmem_shared>>
      tpu.wait_dma2 semaphore(%run_scoped3A_68 : memref<!tpu.dma_semaphore, #tpu.memory_space<semaphore_mem>>) src(%arg7 : memref<80x128xf32, #tpu.memory_space<vmem>>) dst(%dma_wait3A_74 : memref<80x128xf32, #tpu.memory_space<vmem_shared>>)
      tpu.yield
    }) : () -> ()
    %add3A_22 = arith.constant 240 : i32
    %add3A_23 = arith.addi %mul3A_15, %add3A_22 : i32
    "tpu.region"() ({
      %run_scoped3A_68 = tpu.sem_alloc : memref<!tpu.dma_semaphore, #tpu.memory_space<semaphore_mem>>
      %dma_start3A = arith.constant 0 : i32
      %dma_start3A_69 = tpu.memref_slice %arg8[%add3A_23, %dma_start3A] : memref<10240x128xf32, #tpu.memory_space<vmem_shared>> -> memref<80x128xf32, #tpu.memory_space<vmem_shared>>
      %dma_start3A_70 = arith.constant 0 : i32
      %dma_start3A_71 = tpu.memref_slice %arg8[%add3A_23, %dma_start3A_70] : memref<10240x128xf32, #tpu.memory_space<vmem_shared>> -> memref<80x128xf32, #tpu.memory_space<vmem_shared>>
      tpu.enqueue_dma source(%arg7 : memref<80x128xf32, #tpu.memory_space<vmem>>) target(%dma_start3A_71 : memref<80x128xf32, #tpu.memory_space<vmem_shared>>) target_semaphore(%run_scoped3A_68 : memref<!tpu.dma_semaphore, #tpu.memory_space<semaphore_mem>>)
      %dma_wait3A = arith.constant 0 : i32
      %dma_wait3A_72 = tpu.memref_slice %arg8[%add3A_23, %dma_wait3A] : memref<10240x128xf32, #tpu.memory_space<vmem_shared>> -> memref<80x128xf32, #tpu.memory_space<vmem_shared>>
      %dma_wait3A_73 = arith.constant 0 : i32
      %dma_wait3A_74 = tpu.memref_slice %arg8[%add3A_23, %dma_wait3A_73] : memref<10240x128xf32, #tpu.memory_space<vmem_shared>> -> memref<80x128xf32, #tpu.memory_space<vmem_shared>>
      tpu.wait_dma2 semaphore(%run_scoped3A_68 : memref<!tpu.dma_semaphore, #tpu.memory_space<semaphore_mem>>) src(%arg7 : memref<80x128xf32, #tpu.memory_space<vmem>>) dst(%dma_wait3A_74 : memref<80x128xf32, #tpu.memory_space<vmem_shared>>)
      tpu.yield
    }) : () -> ()
    %add3A_24 = arith.constant 320 : i32
    %add3A_25 = arith.addi %mul3A_15, %add3A_24 : i32
    "tpu.region"() ({
      %run_scoped3A_68 = tpu.sem_alloc : memref<!tpu.dma_semaphore, #tpu.memory_space<semaphore_mem>>
      %dma_start3A = arith.constant 0 : i32
      %dma_start3A_69 = tpu.memref_slice %arg8[%add3A_25, %dma_start3A] : memref<10240x128xf32, #tpu.memory_space<vmem_shared>> -> memref<80x128xf32, #tpu.memory_space<vmem_shared>>
      %dma_start3A_70 = arith.constant 0 : i32
      %dma_start3A_71 = tpu.memref_slice %arg8[%add3A_25, %dma_start3A_70] : memref<10240x128xf32, #tpu.memory_space<vmem_shared>> -> memref<80x128xf32, #tpu.memory_space<vmem_shared>>
      tpu.enqueue_dma source(%arg7 : memref<80x128xf32, #tpu.memory_space<vmem>>) target(%dma_start3A_71 : memref<80x128xf32, #tpu.memory_space<vmem_shared>>) target_semaphore(%run_scoped3A_68 : memref<!tpu.dma_semaphore, #tpu.memory_space<semaphore_mem>>)
      %dma_wait3A = arith.constant 0 : i32
      %dma_wait3A_72 = tpu.memref_slice %arg8[%add3A_25, %dma_wait3A] : memref<10240x128xf32, #tpu.memory_space<vmem_shared>> -> memref<80x128xf32, #tpu.memory_space<vmem_shared>>
      %dma_wait3A_73 = arith.constant 0 : i32
      %dma_wait3A_74 = tpu.memref_slice %arg8[%add3A_25, %dma_wait3A_73] : memref<10240x128xf32, #tpu.memory_space<vmem_shared>> -> memref<80x128xf32, #tpu.memory_space<vmem_shared>>
      tpu.wait_dma2 semaphore(%run_scoped3A_68 : memref<!tpu.dma_semaphore, #tpu.memory_space<semaphore_mem>>) src(%arg7 : memref<80x128xf32, #tpu.memory_space<vmem>>) dst(%dma_wait3A_74 : memref<80x128xf32, #tpu.memory_space<vmem_shared>>)
      tpu.yield
    }) : () -> ()
    %add3A_26 = arith.constant 400 : i32
    %add3A_27 = arith.addi %mul3A_15, %add3A_26 : i32
    "tpu.region"() ({
      %run_scoped3A_68 = tpu.sem_alloc : memref<!tpu.dma_semaphore, #tpu.memory_space<semaphore_mem>>
      %dma_start3A = arith.constant 0 : i32
      %dma_start3A_69 = tpu.memref_slice %arg8[%add3A_27, %dma_start3A] : memref<10240x128xf32, #tpu.memory_space<vmem_shared>> -> memref<80x128xf32, #tpu.memory_space<vmem_shared>>
      %dma_start3A_70 = arith.constant 0 : i32
      %dma_start3A_71 = tpu.memref_slice %arg8[%add3A_27, %dma_start3A_70] : memref<10240x128xf32, #tpu.memory_space<vmem_shared>> -> memref<80x128xf32, #tpu.memory_space<vmem_shared>>
      tpu.enqueue_dma source(%arg7 : memref<80x128xf32, #tpu.memory_space<vmem>>) target(%dma_start3A_71 : memref<80x128xf32, #tpu.memory_space<vmem_shared>>) target_semaphore(%run_scoped3A_68 : memref<!tpu.dma_semaphore, #tpu.memory_space<semaphore_mem>>)
      %dma_wait3A = arith.constant 0 : i32
      %dma_wait3A_72 = tpu.memref_slice %arg8[%add3A_27, %dma_wait3A] : memref<10240x128xf32, #tpu.memory_space<vmem_shared>> -> memref<80x128xf32, #tpu.memory_space<vmem_shared>>
      %dma_wait3A_73 = arith.constant 0 : i32
      %dma_wait3A_74 = tpu.memref_slice %arg8[%add3A_27, %dma_wait3A_73] : memref<10240x128xf32, #tpu.memory_space<vmem_shared>> -> memref<80x128xf32, #tpu.memory_space<vmem_shared>>
      tpu.wait_dma2 semaphore(%run_scoped3A_68 : memref<!tpu.dma_semaphore, #tpu.memory_space<semaphore_mem>>) src(%arg7 : memref<80x128xf32, #tpu.memory_space<vmem>>) dst(%dma_wait3A_74 : memref<80x128xf32, #tpu.memory_space<vmem_shared>>)
      tpu.yield
    }) : () -> ()
    %add3A_28 = arith.constant 480 : i32
    %add3A_29 = arith.addi %mul3A_15, %add3A_28 : i32
    "tpu.region"() ({
      %run_scoped3A_68 = tpu.sem_alloc : memref<!tpu.dma_semaphore, #tpu.memory_space<semaphore_mem>>
      %dma_start3A = arith.constant 0 : i32
      %dma_start3A_69 = tpu.memref_slice %arg8[%add3A_29, %dma_start3A] : memref<10240x128xf32, #tpu.memory_space<vmem_shared>> -> memref<80x128xf32, #tpu.memory_space<vmem_shared>>
      %dma_start3A_70 = arith.constant 0 : i32
      %dma_start3A_71 = tpu.memref_slice %arg8[%add3A_29, %dma_start3A_70] : memref<10240x128xf32, #tpu.memory_space<vmem_shared>> -> memref<80x128xf32, #tpu.memory_space<vmem_shared>>
      tpu.enqueue_dma source(%arg7 : memref<80x128xf32, #tpu.memory_space<vmem>>) target(%dma_start3A_71 : memref<80x128xf32, #tpu.memory_space<vmem_shared>>) target_semaphore(%run_scoped3A_68 : memref<!tpu.dma_semaphore, #tpu.memory_space<semaphore_mem>>)
      %dma_wait3A = arith.constant 0 : i32
      %dma_wait3A_72 = tpu.memref_slice %arg8[%add3A_29, %dma_wait3A] : memref<10240x128xf32, #tpu.memory_space<vmem_shared>> -> memref<80x128xf32, #tpu.memory_space<vmem_shared>>
      %dma_wait3A_73 = arith.constant 0 : i32
      %dma_wait3A_74 = tpu.memref_slice %arg8[%add3A_29, %dma_wait3A_73] : memref<10240x128xf32, #tpu.memory_space<vmem_shared>> -> memref<80x128xf32, #tpu.memory_space<vmem_shared>>
      tpu.wait_dma2 semaphore(%run_scoped3A_68 : memref<!tpu.dma_semaphore, #tpu.memory_space<semaphore_mem>>) src(%arg7 : memref<80x128xf32, #tpu.memory_space<vmem>>) dst(%dma_wait3A_74 : memref<80x128xf32, #tpu.memory_space<vmem_shared>>)
      tpu.yield
    }) : () -> ()
    %add3A_30 = arith.constant 560 : i32
    %add3A_31 = arith.addi %mul3A_15, %add3A_30 : i32
    "tpu.region"() ({
      %run_scoped3A_68 = tpu.sem_alloc : memref<!tpu.dma_semaphore, #tpu.memory_space<semaphore_mem>>
      %dma_start3A = arith.constant 0 : i32
      %dma_start3A_69 = tpu.memref_slice %arg8[%add3A_31, %dma_start3A] : memref<10240x128xf32, #tpu.memory_space<vmem_shared>> -> memref<80x128xf32, #tpu.memory_space<vmem_shared>>
      %dma_start3A_70 = arith.constant 0 : i32
      %dma_start3A_71 = tpu.memref_slice %arg8[%add3A_31, %dma_start3A_70] : memref<10240x128xf32, #tpu.memory_space<vmem_shared>> -> memref<80x128xf32, #tpu.memory_space<vmem_shared>>
      tpu.enqueue_dma source(%arg7 : memref<80x128xf32, #tpu.memory_space<vmem>>) target(%dma_start3A_71 : memref<80x128xf32, #tpu.memory_space<vmem_shared>>) target_semaphore(%run_scoped3A_68 : memref<!tpu.dma_semaphore, #tpu.memory_space<semaphore_mem>>)
      %dma_wait3A = arith.constant 0 : i32
      %dma_wait3A_72 = tpu.memref_slice %arg8[%add3A_31, %dma_wait3A] : memref<10240x128xf32, #tpu.memory_space<vmem_shared>> -> memref<80x128xf32, #tpu.memory_space<vmem_shared>>
      %dma_wait3A_73 = arith.constant 0 : i32
      %dma_wait3A_74 = tpu.memref_slice %arg8[%add3A_31, %dma_wait3A_73] : memref<10240x128xf32, #tpu.memory_space<vmem_shared>> -> memref<80x128xf32, #tpu.memory_space<vmem_shared>>
      tpu.wait_dma2 semaphore(%run_scoped3A_68 : memref<!tpu.dma_semaphore, #tpu.memory_space<semaphore_mem>>) src(%arg7 : memref<80x128xf32, #tpu.memory_space<vmem>>) dst(%dma_wait3A_74 : memref<80x128xf32, #tpu.memory_space<vmem_shared>>)
      tpu.yield
    }) : () -> ()
    %barrier3A = arith.constant 0 : index
    tpu.barrier barrier_id(%barrier3A)
    %scan3A_32 = arith.constant 0 : i32
    %scan3A_33 = arith.constant 0 : i32
    %scan3A_34 = arith.constant 125 : i32
    %scan3A_35 = arith.addi %scan3A_33, %scan3A_34 : i32
    %scan3A_36 = arith.constant 1 : i32
    scf.for %scan3A_68 = %scan3A_33 to %scan3A_35 step %scan3A_36  : i32 {
      %mul3A_69 = arith.constant 10000 : i32
      %mul3A_70 = arith.muli %add3A, %mul3A_69 : i32
      %mul3A_71 = arith.constant 80 : i32
      %mul3A_72 = arith.muli %scan3A_68, %mul3A_71 : i32
      %add3A_73 = arith.addi %mul3A_70, %mul3A_72 : i32
      "tpu.region"() ({
        %run_scoped3A_74 = tpu.sem_alloc : memref<!tpu.dma_semaphore, #tpu.memory_space<semaphore_mem>>
        %dma_start3A = tpu.memref_slice %arg2[%add3A_73] : memref<320000xi32, #tpu.memory_space<hbm>> -> memref<80xi32, #tpu.memory_space<hbm>>
        %dma_start3A_75 = tpu.memref_slice %arg2[%add3A_73] : memref<320000xi32, #tpu.memory_space<hbm>> -> memref<80xi32, #tpu.memory_space<hbm>>
        tpu.enqueue_dma source(%dma_start3A_75 : memref<80xi32, #tpu.memory_space<hbm>>) target(%arg5 : memref<80xi32, #tpu.memory_space<vmem>>) target_semaphore(%run_scoped3A_74 : memref<!tpu.dma_semaphore, #tpu.memory_space<semaphore_mem>>)
        %dma_wait3A = tpu.memref_slice %arg2[%add3A_73] : memref<320000xi32, #tpu.memory_space<hbm>> -> memref<80xi32, #tpu.memory_space<hbm>>
        %dma_wait3A_76 = tpu.memref_slice %arg2[%add3A_73] : memref<320000xi32, #tpu.memory_space<hbm>> -> memref<80xi32, #tpu.memory_space<hbm>>
        tpu.wait_dma2 semaphore(%run_scoped3A_74 : memref<!tpu.dma_semaphore, #tpu.memory_space<semaphore_mem>>) src(%dma_wait3A_76 : memref<80xi32, #tpu.memory_space<hbm>>) dst(%arg5 : memref<80xi32, #tpu.memory_space<vmem>>)
        tpu.yield
      }) : () -> ()
      "tpu.region"() ({
        %run_scoped3A_74 = tpu.sem_alloc : memref<!tpu.dma_semaphore, #tpu.memory_space<semaphore_mem>>
        %dma_start3A = arith.constant 0 : i32
        %dma_start3A_75 = arith.constant 0 : i32
        %dma_start3A_76 = tpu.memref_slice %arg8[%dma_start3A, %dma_start3A_75] : memref<10240x128xf32, #tpu.memory_space<vmem_shared>> -> memref<10240x128xf32, #tpu.memory_space<vmem_shared>>
        tpu.enqueue_indirect_dma source(%arg6 : memref<80x128xf32, #tpu.memory_space<vmem>>) target(%dma_start3A_76 : memref<10240x128xf32, #tpu.memory_space<vmem_shared>>) offsets(%arg5 : memref<80xi32, #tpu.memory_space<vmem>>) semaphore(%run_scoped3A_74 : memref<!tpu.dma_semaphore, #tpu.memory_space<semaphore_mem>>) {add = true}
        %dma_wait3A = arith.constant 0 : i32
        %dma_wait3A_77 = arith.constant 0 : i32
        %dma_wait3A_78 = tpu.memref_slice %arg8[%dma_wait3A, %dma_wait3A_77] : memref<10240x128xf32, #tpu.memory_space<vmem_shared>> -> memref<10240x128xf32, #tpu.memory_space<vmem_shared>>
        tpu.wait_indirect_dma semaphore(%run_scoped3A_74 : memref<!tpu.dma_semaphore, #tpu.memory_space<semaphore_mem>>) src(%arg6 : memref<80x128xf32, #tpu.memory_space<vmem>>) dst(%dma_wait3A_78 : memref<10240x128xf32, #tpu.memory_space<vmem_shared>>)
        tpu.yield
      }) : () -> ()
    }
    %scan3A_37 = arith.constant 125 : i32
    %barrier3A_38 = arith.constant 0 : index
    tpu.barrier barrier_id(%barrier3A_38)
    %run_scoped3A = arith.constant 0 : i32
    "tpu.region"() ({
      %run_scoped3A_68 = tpu.sem_alloc : memref<!tpu.dma_semaphore, #tpu.memory_space<semaphore_mem>>
      %dma_start3A = arith.constant 0 : i32
      %dma_start3A_69 = tpu.memref_slice %arg4[%arg0, %run_scoped3A, %mul3A_2, %dma_start3A] : memref<2x2x10240x128xf32, #tpu.memory_space<hbm>> -> memref<1x1x640x128xf32, #tpu.memory_space<hbm>>
      %dma_start3A_70 = tpu.memref_squeeze %dma_start3A_69 : memref<1x1x640x128xf32, #tpu.memory_space<hbm>> -> memref<640x128xf32, #tpu.memory_space<hbm>>
      %dma_start3A_71 = arith.constant 0 : i32
      %dma_start3A_72 = tpu.memref_slice %arg8[%mul3A_2, %dma_start3A_71] : memref<10240x128xf32, #tpu.memory_space<vmem_shared>> -> memref<640x128xf32, #tpu.memory_space<vmem_shared>>
      tpu.enqueue_dma source(%dma_start3A_72 : memref<640x128xf32, #tpu.memory_space<vmem_shared>>) target(%dma_start3A_70 : memref<640x128xf32, #tpu.memory_space<hbm>>) target_semaphore(%run_scoped3A_68 : memref<!tpu.dma_semaphore, #tpu.memory_space<semaphore_mem>>)
      %dma_wait3A = arith.constant 0 : i32
      %dma_wait3A_73 = tpu.memref_slice %arg4[%arg0, %run_scoped3A, %mul3A_2, %dma_wait3A] : memref<2x2x10240x128xf32, #tpu.memory_space<hbm>> -> memref<1x1x640x128xf32, #tpu.memory_space<hbm>>
      %dma_wait3A_74 = tpu.memref_squeeze %dma_wait3A_73 : memref<1x1x640x128xf32, #tpu.memory_space<hbm>> -> memref<640x128xf32, #tpu.memory_space<hbm>>
      %dma_wait3A_75 = arith.constant 0 : i32
      %dma_wait3A_76 = tpu.memref_slice %arg8[%mul3A_2, %dma_wait3A_75] : memref<10240x128xf32, #tpu.memory_space<vmem_shared>> -> memref<640x128xf32, #tpu.memory_space<vmem_shared>>
      tpu.wait_dma2 semaphore(%run_scoped3A_68 : memref<!tpu.dma_semaphore, #tpu.memory_space<semaphore_mem>>) src(%dma_wait3A_76 : memref<640x128xf32, #tpu.memory_space<vmem_shared>>) dst(%dma_wait3A_74 : memref<640x128xf32, #tpu.memory_space<hbm>>)
      tpu.yield
    }) : () -> ()
    %barrier3A_39 = arith.constant 0 : index
    tpu.barrier barrier_id(%barrier3A_39)
    %mul3A_40 = arith.constant 640 : i32
    %mul3A_41 = arith.muli %arg1, %mul3A_40 : i32
    %add3A_42 = arith.constant 0 : i32
    %add3A_43 = arith.addi %mul3A_41, %add3A_42 : i32
    "tpu.region"() ({
      %run_scoped3A_68 = tpu.sem_alloc : memref<!tpu.dma_semaphore, #tpu.memory_space<semaphore_mem>>
      %dma_start3A = arith.constant 0 : i32
      %dma_start3A_69 = tpu.memref_slice %arg8[%add3A_43, %dma_start3A] : memref<10240x128xf32, #tpu.memory_space<vmem_shared>> -> memref<80x128xf32, #tpu.memory_space<vmem_shared>>
      %dma_start3A_70 = arith.constant 0 : i32
      %dma_start3A_71 = tpu.memref_slice %arg8[%add3A_43, %dma_start3A_70] : memref<10240x128xf32, #tpu.memory_space<vmem_shared>> -> memref<80x128xf32, #tpu.memory_space<vmem_shared>>
      tpu.enqueue_dma source(%arg7 : memref<80x128xf32, #tpu.memory_space<vmem>>) target(%dma_start3A_71 : memref<80x128xf32, #tpu.memory_space<vmem_shared>>) target_semaphore(%run_scoped3A_68 : memref<!tpu.dma_semaphore, #tpu.memory_space<semaphore_mem>>)
      %dma_wait3A = arith.constant 0 : i32
      %dma_wait3A_72 = tpu.memref_slice %arg8[%add3A_43, %dma_wait3A] : memref<10240x128xf32, #tpu.memory_space<vmem_shared>> -> memref<80x128xf32, #tpu.memory_space<vmem_shared>>
      %dma_wait3A_73 = arith.constant 0 : i32
      %dma_wait3A_74 = tpu.memref_slice %arg8[%add3A_43, %dma_wait3A_73] : memref<10240x128xf32, #tpu.memory_space<vmem_shared>> -> memref<80x128xf32, #tpu.memory_space<vmem_shared>>
      tpu.wait_dma2 semaphore(%run_scoped3A_68 : memref<!tpu.dma_semaphore, #tpu.memory_space<semaphore_mem>>) src(%arg7 : memref<80x128xf32, #tpu.memory_space<vmem>>) dst(%dma_wait3A_74 : memref<80x128xf32, #tpu.memory_space<vmem_shared>>)
      tpu.yield
    }) : () -> ()
    %add3A_44 = arith.constant 80 : i32
    %add3A_45 = arith.addi %mul3A_41, %add3A_44 : i32
    "tpu.region"() ({
      %run_scoped3A_68 = tpu.sem_alloc : memref<!tpu.dma_semaphore, #tpu.memory_space<semaphore_mem>>
      %dma_start3A = arith.constant 0 : i32
      %dma_start3A_69 = tpu.memref_slice %arg8[%add3A_45, %dma_start3A] : memref<10240x128xf32, #tpu.memory_space<vmem_shared>> -> memref<80x128xf32, #tpu.memory_space<vmem_shared>>
      %dma_start3A_70 = arith.constant 0 : i32
      %dma_start3A_71 = tpu.memref_slice %arg8[%add3A_45, %dma_start3A_70] : memref<10240x128xf32, #tpu.memory_space<vmem_shared>> -> memref<80x128xf32, #tpu.memory_space<vmem_shared>>
      tpu.enqueue_dma source(%arg7 : memref<80x128xf32, #tpu.memory_space<vmem>>) target(%dma_start3A_71 : memref<80x128xf32, #tpu.memory_space<vmem_shared>>) target_semaphore(%run_scoped3A_68 : memref<!tpu.dma_semaphore, #tpu.memory_space<semaphore_mem>>)
      %dma_wait3A = arith.constant 0 : i32
      %dma_wait3A_72 = tpu.memref_slice %arg8[%add3A_45, %dma_wait3A] : memref<10240x128xf32, #tpu.memory_space<vmem_shared>> -> memref<80x128xf32, #tpu.memory_space<vmem_shared>>
      %dma_wait3A_73 = arith.constant 0 : i32
      %dma_wait3A_74 = tpu.memref_slice %arg8[%add3A_45, %dma_wait3A_73] : memref<10240x128xf32, #tpu.memory_space<vmem_shared>> -> memref<80x128xf32, #tpu.memory_space<vmem_shared>>
      tpu.wait_dma2 semaphore(%run_scoped3A_68 : memref<!tpu.dma_semaphore, #tpu.memory_space<semaphore_mem>>) src(%arg7 : memref<80x128xf32, #tpu.memory_space<vmem>>) dst(%dma_wait3A_74 : memref<80x128xf32, #tpu.memory_space<vmem_shared>>)
      tpu.yield
    }) : () -> ()
    %add3A_46 = arith.constant 160 : i32
    %add3A_47 = arith.addi %mul3A_41, %add3A_46 : i32
    "tpu.region"() ({
      %run_scoped3A_68 = tpu.sem_alloc : memref<!tpu.dma_semaphore, #tpu.memory_space<semaphore_mem>>
      %dma_start3A = arith.constant 0 : i32
      %dma_start3A_69 = tpu.memref_slice %arg8[%add3A_47, %dma_start3A] : memref<10240x128xf32, #tpu.memory_space<vmem_shared>> -> memref<80x128xf32, #tpu.memory_space<vmem_shared>>
      %dma_start3A_70 = arith.constant 0 : i32
      %dma_start3A_71 = tpu.memref_slice %arg8[%add3A_47, %dma_start3A_70] : memref<10240x128xf32, #tpu.memory_space<vmem_shared>> -> memref<80x128xf32, #tpu.memory_space<vmem_shared>>
      tpu.enqueue_dma source(%arg7 : memref<80x128xf32, #tpu.memory_space<vmem>>) target(%dma_start3A_71 : memref<80x128xf32, #tpu.memory_space<vmem_shared>>) target_semaphore(%run_scoped3A_68 : memref<!tpu.dma_semaphore, #tpu.memory_space<semaphore_mem>>)
      %dma_wait3A = arith.constant 0 : i32
      %dma_wait3A_72 = tpu.memref_slice %arg8[%add3A_47, %dma_wait3A] : memref<10240x128xf32, #tpu.memory_space<vmem_shared>> -> memref<80x128xf32, #tpu.memory_space<vmem_shared>>
      %dma_wait3A_73 = arith.constant 0 : i32
      %dma_wait3A_74 = tpu.memref_slice %arg8[%add3A_47, %dma_wait3A_73] : memref<10240x128xf32, #tpu.memory_space<vmem_shared>> -> memref<80x128xf32, #tpu.memory_space<vmem_shared>>
      tpu.wait_dma2 semaphore(%run_scoped3A_68 : memref<!tpu.dma_semaphore, #tpu.memory_space<semaphore_mem>>) src(%arg7 : memref<80x128xf32, #tpu.memory_space<vmem>>) dst(%dma_wait3A_74 : memref<80x128xf32, #tpu.memory_space<vmem_shared>>)
      tpu.yield
    }) : () -> ()
    %add3A_48 = arith.constant 240 : i32
    %add3A_49 = arith.addi %mul3A_41, %add3A_48 : i32
    "tpu.region"() ({
      %run_scoped3A_68 = tpu.sem_alloc : memref<!tpu.dma_semaphore, #tpu.memory_space<semaphore_mem>>
      %dma_start3A = arith.constant 0 : i32
      %dma_start3A_69 = tpu.memref_slice %arg8[%add3A_49, %dma_start3A] : memref<10240x128xf32, #tpu.memory_space<vmem_shared>> -> memref<80x128xf32, #tpu.memory_space<vmem_shared>>
      %dma_start3A_70 = arith.constant 0 : i32
      %dma_start3A_71 = tpu.memref_slice %arg8[%add3A_49, %dma_start3A_70] : memref<10240x128xf32, #tpu.memory_space<vmem_shared>> -> memref<80x128xf32, #tpu.memory_space<vmem_shared>>
      tpu.enqueue_dma source(%arg7 : memref<80x128xf32, #tpu.memory_space<vmem>>) target(%dma_start3A_71 : memref<80x128xf32, #tpu.memory_space<vmem_shared>>) target_semaphore(%run_scoped3A_68 : memref<!tpu.dma_semaphore, #tpu.memory_space<semaphore_mem>>)
      %dma_wait3A = arith.constant 0 : i32
      %dma_wait3A_72 = tpu.memref_slice %arg8[%add3A_49, %dma_wait3A] : memref<10240x128xf32, #tpu.memory_space<vmem_shared>> -> memref<80x128xf32, #tpu.memory_space<vmem_shared>>
      %dma_wait3A_73 = arith.constant 0 : i32
      %dma_wait3A_74 = tpu.memref_slice %arg8[%add3A_49, %dma_wait3A_73] : memref<10240x128xf32, #tpu.memory_space<vmem_shared>> -> memref<80x128xf32, #tpu.memory_space<vmem_shared>>
      tpu.wait_dma2 semaphore(%run_scoped3A_68 : memref<!tpu.dma_semaphore, #tpu.memory_space<semaphore_mem>>) src(%arg7 : memref<80x128xf32, #tpu.memory_space<vmem>>) dst(%dma_wait3A_74 : memref<80x128xf32, #tpu.memory_space<vmem_shared>>)
      tpu.yield
    }) : () -> ()
    %add3A_50 = arith.constant 320 : i32
    %add3A_51 = arith.addi %mul3A_41, %add3A_50 : i32
    "tpu.region"() ({
      %run_scoped3A_68 = tpu.sem_alloc : memref<!tpu.dma_semaphore, #tpu.memory_space<semaphore_mem>>
      %dma_start3A = arith.constant 0 : i32
      %dma_start3A_69 = tpu.memref_slice %arg8[%add3A_51, %dma_start3A] : memref<10240x128xf32, #tpu.memory_space<vmem_shared>> -> memref<80x128xf32, #tpu.memory_space<vmem_shared>>
      %dma_start3A_70 = arith.constant 0 : i32
      %dma_start3A_71 = tpu.memref_slice %arg8[%add3A_51, %dma_start3A_70] : memref<10240x128xf32, #tpu.memory_space<vmem_shared>> -> memref<80x128xf32, #tpu.memory_space<vmem_shared>>
      tpu.enqueue_dma source(%arg7 : memref<80x128xf32, #tpu.memory_space<vmem>>) target(%dma_start3A_71 : memref<80x128xf32, #tpu.memory_space<vmem_shared>>) target_semaphore(%run_scoped3A_68 : memref<!tpu.dma_semaphore, #tpu.memory_space<semaphore_mem>>)
      %dma_wait3A = arith.constant 0 : i32
      %dma_wait3A_72 = tpu.memref_slice %arg8[%add3A_51, %dma_wait3A] : memref<10240x128xf32, #tpu.memory_space<vmem_shared>> -> memref<80x128xf32, #tpu.memory_space<vmem_shared>>
      %dma_wait3A_73 = arith.constant 0 : i32
      %dma_wait3A_74 = tpu.memref_slice %arg8[%add3A_51, %dma_wait3A_73] : memref<10240x128xf32, #tpu.memory_space<vmem_shared>> -> memref<80x128xf32, #tpu.memory_space<vmem_shared>>
      tpu.wait_dma2 semaphore(%run_scoped3A_68 : memref<!tpu.dma_semaphore, #tpu.memory_space<semaphore_mem>>) src(%arg7 : memref<80x128xf32, #tpu.memory_space<vmem>>) dst(%dma_wait3A_74 : memref<80x128xf32, #tpu.memory_space<vmem_shared>>)
      tpu.yield
    }) : () -> ()
    %add3A_52 = arith.constant 400 : i32
    %add3A_53 = arith.addi %mul3A_41, %add3A_52 : i32
    "tpu.region"() ({
      %run_scoped3A_68 = tpu.sem_alloc : memref<!tpu.dma_semaphore, #tpu.memory_space<semaphore_mem>>
      %dma_start3A = arith.constant 0 : i32
      %dma_start3A_69 = tpu.memref_slice %arg8[%add3A_53, %dma_start3A] : memref<10240x128xf32, #tpu.memory_space<vmem_shared>> -> memref<80x128xf32, #tpu.memory_space<vmem_shared>>
      %dma_start3A_70 = arith.constant 0 : i32
      %dma_start3A_71 = tpu.memref_slice %arg8[%add3A_53, %dma_start3A_70] : memref<10240x128xf32, #tpu.memory_space<vmem_shared>> -> memref<80x128xf32, #tpu.memory_space<vmem_shared>>
      tpu.enqueue_dma source(%arg7 : memref<80x128xf32, #tpu.memory_space<vmem>>) target(%dma_start3A_71 : memref<80x128xf32, #tpu.memory_space<vmem_shared>>) target_semaphore(%run_scoped3A_68 : memref<!tpu.dma_semaphore, #tpu.memory_space<semaphore_mem>>)
      %dma_wait3A = arith.constant 0 : i32
      %dma_wait3A_72 = tpu.memref_slice %arg8[%add3A_53, %dma_wait3A] : memref<10240x128xf32, #tpu.memory_space<vmem_shared>> -> memref<80x128xf32, #tpu.memory_space<vmem_shared>>
      %dma_wait3A_73 = arith.constant 0 : i32
      %dma_wait3A_74 = tpu.memref_slice %arg8[%add3A_53, %dma_wait3A_73] : memref<10240x128xf32, #tpu.memory_space<vmem_shared>> -> memref<80x128xf32, #tpu.memory_space<vmem_shared>>
      tpu.wait_dma2 semaphore(%run_scoped3A_68 : memref<!tpu.dma_semaphore, #tpu.memory_space<semaphore_mem>>) src(%arg7 : memref<80x128xf32, #tpu.memory_space<vmem>>) dst(%dma_wait3A_74 : memref<80x128xf32, #tpu.memory_space<vmem_shared>>)
      tpu.yield
    }) : () -> ()
    %add3A_54 = arith.constant 480 : i32
    %add3A_55 = arith.addi %mul3A_41, %add3A_54 : i32
    "tpu.region"() ({
      %run_scoped3A_68 = tpu.sem_alloc : memref<!tpu.dma_semaphore, #tpu.memory_space<semaphore_mem>>
      %dma_start3A = arith.constant 0 : i32
      %dma_start3A_69 = tpu.memref_slice %arg8[%add3A_55, %dma_start3A] : memref<10240x128xf32, #tpu.memory_space<vmem_shared>> -> memref<80x128xf32, #tpu.memory_space<vmem_shared>>
      %dma_start3A_70 = arith.constant 0 : i32
      %dma_start3A_71 = tpu.memref_slice %arg8[%add3A_55, %dma_start3A_70] : memref<10240x128xf32, #tpu.memory_space<vmem_shared>> -> memref<80x128xf32, #tpu.memory_space<vmem_shared>>
      tpu.enqueue_dma source(%arg7 : memref<80x128xf32, #tpu.memory_space<vmem>>) target(%dma_start3A_71 : memref<80x128xf32, #tpu.memory_space<vmem_shared>>) target_semaphore(%run_scoped3A_68 : memref<!tpu.dma_semaphore, #tpu.memory_space<semaphore_mem>>)
      %dma_wait3A = arith.constant 0 : i32
      %dma_wait3A_72 = tpu.memref_slice %arg8[%add3A_55, %dma_wait3A] : memref<10240x128xf32, #tpu.memory_space<vmem_shared>> -> memref<80x128xf32, #tpu.memory_space<vmem_shared>>
      %dma_wait3A_73 = arith.constant 0 : i32
      %dma_wait3A_74 = tpu.memref_slice %arg8[%add3A_55, %dma_wait3A_73] : memref<10240x128xf32, #tpu.memory_space<vmem_shared>> -> memref<80x128xf32, #tpu.memory_space<vmem_shared>>
      tpu.wait_dma2 semaphore(%run_scoped3A_68 : memref<!tpu.dma_semaphore, #tpu.memory_space<semaphore_mem>>) src(%arg7 : memref<80x128xf32, #tpu.memory_space<vmem>>) dst(%dma_wait3A_74 : memref<80x128xf32, #tpu.memory_space<vmem_shared>>)
      tpu.yield
    }) : () -> ()
    %add3A_56 = arith.constant 560 : i32
    %add3A_57 = arith.addi %mul3A_41, %add3A_56 : i32
    "tpu.region"() ({
      %run_scoped3A_68 = tpu.sem_alloc : memref<!tpu.dma_semaphore, #tpu.memory_space<semaphore_mem>>
      %dma_start3A = arith.constant 0 : i32
      %dma_start3A_69 = tpu.memref_slice %arg8[%add3A_57, %dma_start3A] : memref<10240x128xf32, #tpu.memory_space<vmem_shared>> -> memref<80x128xf32, #tpu.memory_space<vmem_shared>>
      %dma_start3A_70 = arith.constant 0 : i32
      %dma_start3A_71 = tpu.memref_slice %arg8[%add3A_57, %dma_start3A_70] : memref<10240x128xf32, #tpu.memory_space<vmem_shared>> -> memref<80x128xf32, #tpu.memory_space<vmem_shared>>
      tpu.enqueue_dma source(%arg7 : memref<80x128xf32, #tpu.memory_space<vmem>>) target(%dma_start3A_71 : memref<80x128xf32, #tpu.memory_space<vmem_shared>>) target_semaphore(%run_scoped3A_68 : memref<!tpu.dma_semaphore, #tpu.memory_space<semaphore_mem>>)
      %dma_wait3A = arith.constant 0 : i32
      %dma_wait3A_72 = tpu.memref_slice %arg8[%add3A_57, %dma_wait3A] : memref<10240x128xf32, #tpu.memory_space<vmem_shared>> -> memref<80x128xf32, #tpu.memory_space<vmem_shared>>
      %dma_wait3A_73 = arith.constant 0 : i32
      %dma_wait3A_74 = tpu.memref_slice %arg8[%add3A_57, %dma_wait3A_73] : memref<10240x128xf32, #tpu.memory_space<vmem_shared>> -> memref<80x128xf32, #tpu.memory_space<vmem_shared>>
      tpu.wait_dma2 semaphore(%run_scoped3A_68 : memref<!tpu.dma_semaphore, #tpu.memory_space<semaphore_mem>>) src(%arg7 : memref<80x128xf32, #tpu.memory_space<vmem>>) dst(%dma_wait3A_74 : memref<80x128xf32, #tpu.memory_space<vmem_shared>>)
      tpu.yield
    }) : () -> ()
    %barrier3A_58 = arith.constant 0 : index
    tpu.barrier barrier_id(%barrier3A_58)
    %scan3A_59 = arith.constant 0 : i32
    %scan3A_60 = arith.constant 0 : i32
    %scan3A_61 = arith.constant 125 : i32
    %scan3A_62 = arith.addi %scan3A_60, %scan3A_61 : i32
    %scan3A_63 = arith.constant 1 : i32
    scf.for %scan3A_68 = %scan3A_60 to %scan3A_62 step %scan3A_63  : i32 {
      %mul3A_69 = arith.constant 10000 : i32
      %mul3A_70 = arith.muli %add3A, %mul3A_69 : i32
      %mul3A_71 = arith.constant 80 : i32
      %mul3A_72 = arith.muli %scan3A_68, %mul3A_71 : i32
      %add3A_73 = arith.addi %mul3A_70, %mul3A_72 : i32
      "tpu.region"() ({
        %run_scoped3A_74 = tpu.sem_alloc : memref<!tpu.dma_semaphore, #tpu.memory_space<semaphore_mem>>
        %dma_start3A = tpu.memref_slice %arg3[%add3A_73] : memref<320000xi32, #tpu.memory_space<hbm>> -> memref<80xi32, #tpu.memory_space<hbm>>
        %dma_start3A_75 = tpu.memref_slice %arg3[%add3A_73] : memref<320000xi32, #tpu.memory_space<hbm>> -> memref<80xi32, #tpu.memory_space<hbm>>
        tpu.enqueue_dma source(%dma_start3A_75 : memref<80xi32, #tpu.memory_space<hbm>>) target(%arg5 : memref<80xi32, #tpu.memory_space<vmem>>) target_semaphore(%run_scoped3A_74 : memref<!tpu.dma_semaphore, #tpu.memory_space<semaphore_mem>>)
        %dma_wait3A = tpu.memref_slice %arg3[%add3A_73] : memref<320000xi32, #tpu.memory_space<hbm>> -> memref<80xi32, #tpu.memory_space<hbm>>
        %dma_wait3A_76 = tpu.memref_slice %arg3[%add3A_73] : memref<320000xi32, #tpu.memory_space<hbm>> -> memref<80xi32, #tpu.memory_space<hbm>>
        tpu.wait_dma2 semaphore(%run_scoped3A_74 : memref<!tpu.dma_semaphore, #tpu.memory_space<semaphore_mem>>) src(%dma_wait3A_76 : memref<80xi32, #tpu.memory_space<hbm>>) dst(%arg5 : memref<80xi32, #tpu.memory_space<vmem>>)
        tpu.yield
      }) : () -> ()
      "tpu.region"() ({
        %run_scoped3A_74 = tpu.sem_alloc : memref<!tpu.dma_semaphore, #tpu.memory_space<semaphore_mem>>
        %dma_start3A = arith.constant 0 : i32
        %dma_start3A_75 = arith.constant 0 : i32
        %dma_start3A_76 = tpu.memref_slice %arg8[%dma_start3A, %dma_start3A_75] : memref<10240x128xf32, #tpu.memory_space<vmem_shared>> -> memref<10240x128xf32, #tpu.memory_space<vmem_shared>>
        tpu.enqueue_indirect_dma source(%arg6 : memref<80x128xf32, #tpu.memory_space<vmem>>) target(%dma_start3A_76 : memref<10240x128xf32, #tpu.memory_space<vmem_shared>>) offsets(%arg5 : memref<80xi32, #tpu.memory_space<vmem>>) semaphore(%run_scoped3A_74 : memref<!tpu.dma_semaphore, #tpu.memory_space<semaphore_mem>>) {add = true}
        %dma_wait3A = arith.constant 0 : i32
        %dma_wait3A_77 = arith.constant 0 : i32
        %dma_wait3A_78 = tpu.memref_slice %arg8[%dma_wait3A, %dma_wait3A_77] : memref<10240x128xf32, #tpu.memory_space<vmem_shared>> -> memref<10240x128xf32, #tpu.memory_space<vmem_shared>>
        tpu.wait_indirect_dma semaphore(%run_scoped3A_74 : memref<!tpu.dma_semaphore, #tpu.memory_space<semaphore_mem>>) src(%arg6 : memref<80x128xf32, #tpu.memory_space<vmem>>) dst(%dma_wait3A_78 : memref<10240x128xf32, #tpu.memory_space<vmem_shared>>)
        tpu.yield
      }) : () -> ()
    }
    %scan3A_64 = arith.constant 125 : i32
    %barrier3A_65 = arith.constant 0 : index
    tpu.barrier barrier_id(%barrier3A_65)
    %run_scoped3A_66 = arith.constant 1 : i32
    "tpu.region"() ({
      %run_scoped3A_68 = tpu.sem_alloc : memref<!tpu.dma_semaphore, #tpu.memory_space<semaphore_mem>>
      %dma_start3A = arith.constant 0 : i32
      %dma_start3A_69 = tpu.memref_slice %arg4[%arg0, %run_scoped3A_66, %mul3A_2, %dma_start3A] : memref<2x2x10240x128xf32, #tpu.memory_space<hbm>> -> memref<1x1x640x128xf32, #tpu.memory_space<hbm>>
      %dma_start3A_70 = tpu.memref_squeeze %dma_start3A_69 : memref<1x1x640x128xf32, #tpu.memory_space<hbm>> -> memref<640x128xf32, #tpu.memory_space<hbm>>
      %dma_start3A_71 = arith.constant 0 : i32
      %dma_start3A_72 = tpu.memref_slice %arg8[%mul3A_2, %dma_start3A_71] : memref<10240x128xf32, #tpu.memory_space<vmem_shared>> -> memref<640x128xf32, #tpu.memory_space<vmem_shared>>
      tpu.enqueue_dma source(%dma_start3A_72 : memref<640x128xf32, #tpu.memory_space<vmem_shared>>) target(%dma_start3A_70 : memref<640x128xf32, #tpu.memory_space<hbm>>) target_semaphore(%run_scoped3A_68 : memref<!tpu.dma_semaphore, #tpu.memory_space<semaphore_mem>>)
      %dma_wait3A = arith.constant 0 : i32
      %dma_wait3A_73 = tpu.memref_slice %arg4[%arg0, %run_scoped3A_66, %mul3A_2, %dma_wait3A] : memref<2x2x10240x128xf32, #tpu.memory_space<hbm>> -> memref<1x1x640x128xf32, #tpu.memory_space<hbm>>
      %dma_wait3A_74 = tpu.memref_squeeze %dma_wait3A_73 : memref<1x1x640x128xf32, #tpu.memory_space<hbm>> -> memref<640x128xf32, #tpu.memory_space<hbm>>
      %dma_wait3A_75 = arith.constant 0 : i32
      %dma_wait3A_76 = tpu.memref_slice %arg8[%mul3A_2, %dma_wait3A_75] : memref<10240x128xf32, #tpu.memory_space<vmem_shared>> -> memref<640x128xf32, #tpu.memory_space<vmem_shared>>
      tpu.wait_dma2 semaphore(%run_scoped3A_68 : memref<!tpu.dma_semaphore, #tpu.memory_space<semaphore_mem>>) src(%dma_wait3A_76 : memref<640x128xf32, #tpu.memory_space<vmem_shared>>) dst(%dma_wait3A_74 : memref<640x128xf32, #tpu.memory_space<hbm>>)
      tpu.yield
    }) : () -> ()
    %barrier3A_67 = arith.constant 0 : index
    tpu.barrier barrier_id(%barrier3A_67)
    return
  }
}

#map = affine_map<(d0, d1) -> (0, 0)>
#map1 = affine_map<(d0, d1) -> (0)>
#map2 = affine_map<(d0, d1) -> (0, 0, 0)>
module attributes {stable_mosaic.version = 14 : i64} {
  func.func @_agg_body(%arg0: i32, %arg1: i32, %arg2: memref<10240x128xf32, #tpu.memory_space<hbm>>, %arg3: memref<320000xi32, #tpu.memory_space<hbm>>, %arg4: memref<320000xi32, #tpu.memory_space<hbm>>, %arg5: memref<2x10240x128xf32, #tpu.memory_space<hbm>>, %arg6: memref<80xi32, #tpu.memory_space<vmem>>, %arg7: memref<80xi32, #tpu.memory_space<vmem>>, %arg8: memref<80x128xf32, #tpu.memory_space<vmem>>, %arg9: memref<10240x128xf32, #tpu.memory_space<vmem_shared>>, %arg10: memref<!tpu.dma_semaphore, #tpu.memory_space<semaphore_mem>>) attributes {dimension_semantics = [#tpu.dimension_semantics<core_parallel>, #tpu.dimension_semantics<subcore_parallel>], iteration_bounds = array<i64: 2, 16>, scalar_prefetch = 0 : i64, scratch_operands = 5 : i64, tpu.core_type = #tpu.core_type<sc_vector_subcore>, window_params = [{transform_indices = #map}, {transform_indices = #map1}, {transform_indices = #map1}, {transform_indices = #map2}]} {
    %mul3A = arith.constant 2 : i32
    %mul3A_0 = arith.muli %arg1, %mul3A : i32
    %add3A = arith.addi %mul3A_0, %arg0 : i32
    %scan3A = arith.constant 0 : i32
    %scan3A_1 = arith.constant 0 : i32
    %scan3A_2 = arith.constant 80 : i32
    %scan3A_3 = arith.addi %scan3A_1, %scan3A_2 : i32
    %scan3A_4 = arith.constant 1 : i32
    scf.for %scan3A_33 = %scan3A_1 to %scan3A_3 step %scan3A_4  : i32 {
      %broadcast_in_dim3A = arith.constant 0.000000e+00 : f32
      %broadcast_in_dim3A_34 = vector.broadcast %broadcast_in_dim3A : f32 to vector<16xf32>
      %swap3A = arith.index_cast %scan3A_33 : i32 to index
      %swap3A_35 = arith.constant 0 : index
      %swap3A_36 = tpu.vector_load %arg8[%swap3A, %swap3A_35] {strides = array<i32>} : memref<80x128xf32, #tpu.memory_space<vmem>>, vector<1x16xf32>,
      %swap3A_37 = vector.shape_cast %swap3A_36 : vector<1x16xf32> to vector<16xf32>
      %swap3A_38 = vector.shape_cast %broadcast_in_dim3A_34 : vector<16xf32> to vector<1x16xf32>
      tpu.vector_store %arg8[%swap3A, %swap3A_35], %swap3A_38 {strides = array<i32>} : memref<80x128xf32, #tpu.memory_space<vmem>>, vector<1x16xf32>,
      %broadcast_in_dim3A_39 = arith.constant 0.000000e+00 : f32
      %broadcast_in_dim3A_40 = vector.broadcast %broadcast_in_dim3A_39 : f32 to vector<16xf32>
      %swap3A_41 = arith.index_cast %scan3A_33 : i32 to index
      %swap3A_42 = arith.constant 16 : index
      %swap3A_43 = tpu.vector_load %arg8[%swap3A_41, %swap3A_42] {strides = array<i32>} : memref<80x128xf32, #tpu.memory_space<vmem>>, vector<1x16xf32>,
      %swap3A_44 = vector.shape_cast %swap3A_43 : vector<1x16xf32> to vector<16xf32>
      %swap3A_45 = vector.shape_cast %broadcast_in_dim3A_40 : vector<16xf32> to vector<1x16xf32>
      tpu.vector_store %arg8[%swap3A_41, %swap3A_42], %swap3A_45 {strides = array<i32>} : memref<80x128xf32, #tpu.memory_space<vmem>>, vector<1x16xf32>,
      %broadcast_in_dim3A_46 = arith.constant 0.000000e+00 : f32
      %broadcast_in_dim3A_47 = vector.broadcast %broadcast_in_dim3A_46 : f32 to vector<16xf32>
      %swap3A_48 = arith.index_cast %scan3A_33 : i32 to index
      %swap3A_49 = arith.constant 32 : index
      %swap3A_50 = tpu.vector_load %arg8[%swap3A_48, %swap3A_49] {strides = array<i32>} : memref<80x128xf32, #tpu.memory_space<vmem>>, vector<1x16xf32>,
      %swap3A_51 = vector.shape_cast %swap3A_50 : vector<1x16xf32> to vector<16xf32>
      %swap3A_52 = vector.shape_cast %broadcast_in_dim3A_47 : vector<16xf32> to vector<1x16xf32>
      tpu.vector_store %arg8[%swap3A_48, %swap3A_49], %swap3A_52 {strides = array<i32>} : memref<80x128xf32, #tpu.memory_space<vmem>>, vector<1x16xf32>,
      %broadcast_in_dim3A_53 = arith.constant 0.000000e+00 : f32
      %broadcast_in_dim3A_54 = vector.broadcast %broadcast_in_dim3A_53 : f32 to vector<16xf32>
      %swap3A_55 = arith.index_cast %scan3A_33 : i32 to index
      %swap3A_56 = arith.constant 48 : index
      %swap3A_57 = tpu.vector_load %arg8[%swap3A_55, %swap3A_56] {strides = array<i32>} : memref<80x128xf32, #tpu.memory_space<vmem>>, vector<1x16xf32>,
      %swap3A_58 = vector.shape_cast %swap3A_57 : vector<1x16xf32> to vector<16xf32>
      %swap3A_59 = vector.shape_cast %broadcast_in_dim3A_54 : vector<16xf32> to vector<1x16xf32>
      tpu.vector_store %arg8[%swap3A_55, %swap3A_56], %swap3A_59 {strides = array<i32>} : memref<80x128xf32, #tpu.memory_space<vmem>>, vector<1x16xf32>,
      %broadcast_in_dim3A_60 = arith.constant 0.000000e+00 : f32
      %broadcast_in_dim3A_61 = vector.broadcast %broadcast_in_dim3A_60 : f32 to vector<16xf32>
      %swap3A_62 = arith.index_cast %scan3A_33 : i32 to index
      %swap3A_63 = arith.constant 64 : index
      %swap3A_64 = tpu.vector_load %arg8[%swap3A_62, %swap3A_63] {strides = array<i32>} : memref<80x128xf32, #tpu.memory_space<vmem>>, vector<1x16xf32>,
      %swap3A_65 = vector.shape_cast %swap3A_64 : vector<1x16xf32> to vector<16xf32>
      %swap3A_66 = vector.shape_cast %broadcast_in_dim3A_61 : vector<16xf32> to vector<1x16xf32>
      tpu.vector_store %arg8[%swap3A_62, %swap3A_63], %swap3A_66 {strides = array<i32>} : memref<80x128xf32, #tpu.memory_space<vmem>>, vector<1x16xf32>,
      %broadcast_in_dim3A_67 = arith.constant 0.000000e+00 : f32
      %broadcast_in_dim3A_68 = vector.broadcast %broadcast_in_dim3A_67 : f32 to vector<16xf32>
      %swap3A_69 = arith.index_cast %scan3A_33 : i32 to index
      %swap3A_70 = arith.constant 80 : index
      %swap3A_71 = tpu.vector_load %arg8[%swap3A_69, %swap3A_70] {strides = array<i32>} : memref<80x128xf32, #tpu.memory_space<vmem>>, vector<1x16xf32>,
      %swap3A_72 = vector.shape_cast %swap3A_71 : vector<1x16xf32> to vector<16xf32>
      %swap3A_73 = vector.shape_cast %broadcast_in_dim3A_68 : vector<16xf32> to vector<1x16xf32>
      tpu.vector_store %arg8[%swap3A_69, %swap3A_70], %swap3A_73 {strides = array<i32>} : memref<80x128xf32, #tpu.memory_space<vmem>>, vector<1x16xf32>,
      %broadcast_in_dim3A_74 = arith.constant 0.000000e+00 : f32
      %broadcast_in_dim3A_75 = vector.broadcast %broadcast_in_dim3A_74 : f32 to vector<16xf32>
      %swap3A_76 = arith.index_cast %scan3A_33 : i32 to index
      %swap3A_77 = arith.constant 96 : index
      %swap3A_78 = tpu.vector_load %arg8[%swap3A_76, %swap3A_77] {strides = array<i32>} : memref<80x128xf32, #tpu.memory_space<vmem>>, vector<1x16xf32>,
      %swap3A_79 = vector.shape_cast %swap3A_78 : vector<1x16xf32> to vector<16xf32>
      %swap3A_80 = vector.shape_cast %broadcast_in_dim3A_75 : vector<16xf32> to vector<1x16xf32>
      tpu.vector_store %arg8[%swap3A_76, %swap3A_77], %swap3A_80 {strides = array<i32>} : memref<80x128xf32, #tpu.memory_space<vmem>>, vector<1x16xf32>,
      %broadcast_in_dim3A_81 = arith.constant 0.000000e+00 : f32
      %broadcast_in_dim3A_82 = vector.broadcast %broadcast_in_dim3A_81 : f32 to vector<16xf32>
      %swap3A_83 = arith.index_cast %scan3A_33 : i32 to index
      %swap3A_84 = arith.constant 112 : index
      %swap3A_85 = tpu.vector_load %arg8[%swap3A_83, %swap3A_84] {strides = array<i32>} : memref<80x128xf32, #tpu.memory_space<vmem>>, vector<1x16xf32>,
      %swap3A_86 = vector.shape_cast %swap3A_85 : vector<1x16xf32> to vector<16xf32>
      %swap3A_87 = vector.shape_cast %broadcast_in_dim3A_82 : vector<16xf32> to vector<1x16xf32>
      tpu.vector_store %arg8[%swap3A_83, %swap3A_84], %swap3A_87 {strides = array<i32>} : memref<80x128xf32, #tpu.memory_space<vmem>>, vector<1x16xf32>,
    }
    %scan3A_5 = arith.constant 80 : i32
    %mul3A_6 = arith.constant 640 : i32
    %mul3A_7 = arith.muli %arg1, %mul3A_6 : i32
    %add3A_8 = arith.constant 0 : i32
    %add3A_9 = arith.addi %mul3A_7, %add3A_8 : i32
    "tpu.region"() ({
      %run_scoped3A = tpu.sem_alloc : memref<!tpu.dma_semaphore, #tpu.memory_space<semaphore_mem>>
      %dma_start3A = arith.constant 0 : i32
      %dma_start3A_33 = tpu.memref_slice %arg9[%add3A_9, %dma_start3A] : memref<10240x128xf32, #tpu.memory_space<vmem_shared>> -> memref<80x128xf32, #tpu.memory_space<vmem_shared>>
      %dma_start3A_34 = arith.constant 0 : i32
      %dma_start3A_35 = tpu.memref_slice %arg9[%add3A_9, %dma_start3A_34] : memref<10240x128xf32, #tpu.memory_space<vmem_shared>> -> memref<80x128xf32, #tpu.memory_space<vmem_shared>>
      tpu.enqueue_dma source(%arg8 : memref<80x128xf32, #tpu.memory_space<vmem>>) target(%dma_start3A_35 : memref<80x128xf32, #tpu.memory_space<vmem_shared>>) target_semaphore(%run_scoped3A : memref<!tpu.dma_semaphore, #tpu.memory_space<semaphore_mem>>)
      %dma_wait3A = arith.constant 0 : i32
      %dma_wait3A_36 = tpu.memref_slice %arg9[%add3A_9, %dma_wait3A] : memref<10240x128xf32, #tpu.memory_space<vmem_shared>> -> memref<80x128xf32, #tpu.memory_space<vmem_shared>>
      %dma_wait3A_37 = arith.constant 0 : i32
      %dma_wait3A_38 = tpu.memref_slice %arg9[%add3A_9, %dma_wait3A_37] : memref<10240x128xf32, #tpu.memory_space<vmem_shared>> -> memref<80x128xf32, #tpu.memory_space<vmem_shared>>
      tpu.wait_dma2 semaphore(%run_scoped3A : memref<!tpu.dma_semaphore, #tpu.memory_space<semaphore_mem>>) src(%arg8 : memref<80x128xf32, #tpu.memory_space<vmem>>) dst(%dma_wait3A_38 : memref<80x128xf32, #tpu.memory_space<vmem_shared>>)
      tpu.yield
    }) : () -> ()
    %add3A_10 = arith.constant 80 : i32
    %add3A_11 = arith.addi %mul3A_7, %add3A_10 : i32
    "tpu.region"() ({
      %run_scoped3A = tpu.sem_alloc : memref<!tpu.dma_semaphore, #tpu.memory_space<semaphore_mem>>
      %dma_start3A = arith.constant 0 : i32
      %dma_start3A_33 = tpu.memref_slice %arg9[%add3A_11, %dma_start3A] : memref<10240x128xf32, #tpu.memory_space<vmem_shared>> -> memref<80x128xf32, #tpu.memory_space<vmem_shared>>
      %dma_start3A_34 = arith.constant 0 : i32
      %dma_start3A_35 = tpu.memref_slice %arg9[%add3A_11, %dma_start3A_34] : memref<10240x128xf32, #tpu.memory_space<vmem_shared>> -> memref<80x128xf32, #tpu.memory_space<vmem_shared>>
      tpu.enqueue_dma source(%arg8 : memref<80x128xf32, #tpu.memory_space<vmem>>) target(%dma_start3A_35 : memref<80x128xf32, #tpu.memory_space<vmem_shared>>) target_semaphore(%run_scoped3A : memref<!tpu.dma_semaphore, #tpu.memory_space<semaphore_mem>>)
      %dma_wait3A = arith.constant 0 : i32
      %dma_wait3A_36 = tpu.memref_slice %arg9[%add3A_11, %dma_wait3A] : memref<10240x128xf32, #tpu.memory_space<vmem_shared>> -> memref<80x128xf32, #tpu.memory_space<vmem_shared>>
      %dma_wait3A_37 = arith.constant 0 : i32
      %dma_wait3A_38 = tpu.memref_slice %arg9[%add3A_11, %dma_wait3A_37] : memref<10240x128xf32, #tpu.memory_space<vmem_shared>> -> memref<80x128xf32, #tpu.memory_space<vmem_shared>>
      tpu.wait_dma2 semaphore(%run_scoped3A : memref<!tpu.dma_semaphore, #tpu.memory_space<semaphore_mem>>) src(%arg8 : memref<80x128xf32, #tpu.memory_space<vmem>>) dst(%dma_wait3A_38 : memref<80x128xf32, #tpu.memory_space<vmem_shared>>)
      tpu.yield
    }) : () -> ()
    %add3A_12 = arith.constant 160 : i32
    %add3A_13 = arith.addi %mul3A_7, %add3A_12 : i32
    "tpu.region"() ({
      %run_scoped3A = tpu.sem_alloc : memref<!tpu.dma_semaphore, #tpu.memory_space<semaphore_mem>>
      %dma_start3A = arith.constant 0 : i32
      %dma_start3A_33 = tpu.memref_slice %arg9[%add3A_13, %dma_start3A] : memref<10240x128xf32, #tpu.memory_space<vmem_shared>> -> memref<80x128xf32, #tpu.memory_space<vmem_shared>>
      %dma_start3A_34 = arith.constant 0 : i32
      %dma_start3A_35 = tpu.memref_slice %arg9[%add3A_13, %dma_start3A_34] : memref<10240x128xf32, #tpu.memory_space<vmem_shared>> -> memref<80x128xf32, #tpu.memory_space<vmem_shared>>
      tpu.enqueue_dma source(%arg8 : memref<80x128xf32, #tpu.memory_space<vmem>>) target(%dma_start3A_35 : memref<80x128xf32, #tpu.memory_space<vmem_shared>>) target_semaphore(%run_scoped3A : memref<!tpu.dma_semaphore, #tpu.memory_space<semaphore_mem>>)
      %dma_wait3A = arith.constant 0 : i32
      %dma_wait3A_36 = tpu.memref_slice %arg9[%add3A_13, %dma_wait3A] : memref<10240x128xf32, #tpu.memory_space<vmem_shared>> -> memref<80x128xf32, #tpu.memory_space<vmem_shared>>
      %dma_wait3A_37 = arith.constant 0 : i32
      %dma_wait3A_38 = tpu.memref_slice %arg9[%add3A_13, %dma_wait3A_37] : memref<10240x128xf32, #tpu.memory_space<vmem_shared>> -> memref<80x128xf32, #tpu.memory_space<vmem_shared>>
      tpu.wait_dma2 semaphore(%run_scoped3A : memref<!tpu.dma_semaphore, #tpu.memory_space<semaphore_mem>>) src(%arg8 : memref<80x128xf32, #tpu.memory_space<vmem>>) dst(%dma_wait3A_38 : memref<80x128xf32, #tpu.memory_space<vmem_shared>>)
      tpu.yield
    }) : () -> ()
    %add3A_14 = arith.constant 240 : i32
    %add3A_15 = arith.addi %mul3A_7, %add3A_14 : i32
    "tpu.region"() ({
      %run_scoped3A = tpu.sem_alloc : memref<!tpu.dma_semaphore, #tpu.memory_space<semaphore_mem>>
      %dma_start3A = arith.constant 0 : i32
      %dma_start3A_33 = tpu.memref_slice %arg9[%add3A_15, %dma_start3A] : memref<10240x128xf32, #tpu.memory_space<vmem_shared>> -> memref<80x128xf32, #tpu.memory_space<vmem_shared>>
      %dma_start3A_34 = arith.constant 0 : i32
      %dma_start3A_35 = tpu.memref_slice %arg9[%add3A_15, %dma_start3A_34] : memref<10240x128xf32, #tpu.memory_space<vmem_shared>> -> memref<80x128xf32, #tpu.memory_space<vmem_shared>>
      tpu.enqueue_dma source(%arg8 : memref<80x128xf32, #tpu.memory_space<vmem>>) target(%dma_start3A_35 : memref<80x128xf32, #tpu.memory_space<vmem_shared>>) target_semaphore(%run_scoped3A : memref<!tpu.dma_semaphore, #tpu.memory_space<semaphore_mem>>)
      %dma_wait3A = arith.constant 0 : i32
      %dma_wait3A_36 = tpu.memref_slice %arg9[%add3A_15, %dma_wait3A] : memref<10240x128xf32, #tpu.memory_space<vmem_shared>> -> memref<80x128xf32, #tpu.memory_space<vmem_shared>>
      %dma_wait3A_37 = arith.constant 0 : i32
      %dma_wait3A_38 = tpu.memref_slice %arg9[%add3A_15, %dma_wait3A_37] : memref<10240x128xf32, #tpu.memory_space<vmem_shared>> -> memref<80x128xf32, #tpu.memory_space<vmem_shared>>
      tpu.wait_dma2 semaphore(%run_scoped3A : memref<!tpu.dma_semaphore, #tpu.memory_space<semaphore_mem>>) src(%arg8 : memref<80x128xf32, #tpu.memory_space<vmem>>) dst(%dma_wait3A_38 : memref<80x128xf32, #tpu.memory_space<vmem_shared>>)
      tpu.yield
    }) : () -> ()
    %add3A_16 = arith.constant 320 : i32
    %add3A_17 = arith.addi %mul3A_7, %add3A_16 : i32
    "tpu.region"() ({
      %run_scoped3A = tpu.sem_alloc : memref<!tpu.dma_semaphore, #tpu.memory_space<semaphore_mem>>
      %dma_start3A = arith.constant 0 : i32
      %dma_start3A_33 = tpu.memref_slice %arg9[%add3A_17, %dma_start3A] : memref<10240x128xf32, #tpu.memory_space<vmem_shared>> -> memref<80x128xf32, #tpu.memory_space<vmem_shared>>
      %dma_start3A_34 = arith.constant 0 : i32
      %dma_start3A_35 = tpu.memref_slice %arg9[%add3A_17, %dma_start3A_34] : memref<10240x128xf32, #tpu.memory_space<vmem_shared>> -> memref<80x128xf32, #tpu.memory_space<vmem_shared>>
      tpu.enqueue_dma source(%arg8 : memref<80x128xf32, #tpu.memory_space<vmem>>) target(%dma_start3A_35 : memref<80x128xf32, #tpu.memory_space<vmem_shared>>) target_semaphore(%run_scoped3A : memref<!tpu.dma_semaphore, #tpu.memory_space<semaphore_mem>>)
      %dma_wait3A = arith.constant 0 : i32
      %dma_wait3A_36 = tpu.memref_slice %arg9[%add3A_17, %dma_wait3A] : memref<10240x128xf32, #tpu.memory_space<vmem_shared>> -> memref<80x128xf32, #tpu.memory_space<vmem_shared>>
      %dma_wait3A_37 = arith.constant 0 : i32
      %dma_wait3A_38 = tpu.memref_slice %arg9[%add3A_17, %dma_wait3A_37] : memref<10240x128xf32, #tpu.memory_space<vmem_shared>> -> memref<80x128xf32, #tpu.memory_space<vmem_shared>>
      tpu.wait_dma2 semaphore(%run_scoped3A : memref<!tpu.dma_semaphore, #tpu.memory_space<semaphore_mem>>) src(%arg8 : memref<80x128xf32, #tpu.memory_space<vmem>>) dst(%dma_wait3A_38 : memref<80x128xf32, #tpu.memory_space<vmem_shared>>)
      tpu.yield
    }) : () -> ()
    %add3A_18 = arith.constant 400 : i32
    %add3A_19 = arith.addi %mul3A_7, %add3A_18 : i32
    "tpu.region"() ({
      %run_scoped3A = tpu.sem_alloc : memref<!tpu.dma_semaphore, #tpu.memory_space<semaphore_mem>>
      %dma_start3A = arith.constant 0 : i32
      %dma_start3A_33 = tpu.memref_slice %arg9[%add3A_19, %dma_start3A] : memref<10240x128xf32, #tpu.memory_space<vmem_shared>> -> memref<80x128xf32, #tpu.memory_space<vmem_shared>>
      %dma_start3A_34 = arith.constant 0 : i32
      %dma_start3A_35 = tpu.memref_slice %arg9[%add3A_19, %dma_start3A_34] : memref<10240x128xf32, #tpu.memory_space<vmem_shared>> -> memref<80x128xf32, #tpu.memory_space<vmem_shared>>
      tpu.enqueue_dma source(%arg8 : memref<80x128xf32, #tpu.memory_space<vmem>>) target(%dma_start3A_35 : memref<80x128xf32, #tpu.memory_space<vmem_shared>>) target_semaphore(%run_scoped3A : memref<!tpu.dma_semaphore, #tpu.memory_space<semaphore_mem>>)
      %dma_wait3A = arith.constant 0 : i32
      %dma_wait3A_36 = tpu.memref_slice %arg9[%add3A_19, %dma_wait3A] : memref<10240x128xf32, #tpu.memory_space<vmem_shared>> -> memref<80x128xf32, #tpu.memory_space<vmem_shared>>
      %dma_wait3A_37 = arith.constant 0 : i32
      %dma_wait3A_38 = tpu.memref_slice %arg9[%add3A_19, %dma_wait3A_37] : memref<10240x128xf32, #tpu.memory_space<vmem_shared>> -> memref<80x128xf32, #tpu.memory_space<vmem_shared>>
      tpu.wait_dma2 semaphore(%run_scoped3A : memref<!tpu.dma_semaphore, #tpu.memory_space<semaphore_mem>>) src(%arg8 : memref<80x128xf32, #tpu.memory_space<vmem>>) dst(%dma_wait3A_38 : memref<80x128xf32, #tpu.memory_space<vmem_shared>>)
      tpu.yield
    }) : () -> ()
    %add3A_20 = arith.constant 480 : i32
    %add3A_21 = arith.addi %mul3A_7, %add3A_20 : i32
    "tpu.region"() ({
      %run_scoped3A = tpu.sem_alloc : memref<!tpu.dma_semaphore, #tpu.memory_space<semaphore_mem>>
      %dma_start3A = arith.constant 0 : i32
      %dma_start3A_33 = tpu.memref_slice %arg9[%add3A_21, %dma_start3A] : memref<10240x128xf32, #tpu.memory_space<vmem_shared>> -> memref<80x128xf32, #tpu.memory_space<vmem_shared>>
      %dma_start3A_34 = arith.constant 0 : i32
      %dma_start3A_35 = tpu.memref_slice %arg9[%add3A_21, %dma_start3A_34] : memref<10240x128xf32, #tpu.memory_space<vmem_shared>> -> memref<80x128xf32, #tpu.memory_space<vmem_shared>>
      tpu.enqueue_dma source(%arg8 : memref<80x128xf32, #tpu.memory_space<vmem>>) target(%dma_start3A_35 : memref<80x128xf32, #tpu.memory_space<vmem_shared>>) target_semaphore(%run_scoped3A : memref<!tpu.dma_semaphore, #tpu.memory_space<semaphore_mem>>)
      %dma_wait3A = arith.constant 0 : i32
      %dma_wait3A_36 = tpu.memref_slice %arg9[%add3A_21, %dma_wait3A] : memref<10240x128xf32, #tpu.memory_space<vmem_shared>> -> memref<80x128xf32, #tpu.memory_space<vmem_shared>>
      %dma_wait3A_37 = arith.constant 0 : i32
      %dma_wait3A_38 = tpu.memref_slice %arg9[%add3A_21, %dma_wait3A_37] : memref<10240x128xf32, #tpu.memory_space<vmem_shared>> -> memref<80x128xf32, #tpu.memory_space<vmem_shared>>
      tpu.wait_dma2 semaphore(%run_scoped3A : memref<!tpu.dma_semaphore, #tpu.memory_space<semaphore_mem>>) src(%arg8 : memref<80x128xf32, #tpu.memory_space<vmem>>) dst(%dma_wait3A_38 : memref<80x128xf32, #tpu.memory_space<vmem_shared>>)
      tpu.yield
    }) : () -> ()
    %add3A_22 = arith.constant 560 : i32
    %add3A_23 = arith.addi %mul3A_7, %add3A_22 : i32
    "tpu.region"() ({
      %run_scoped3A = tpu.sem_alloc : memref<!tpu.dma_semaphore, #tpu.memory_space<semaphore_mem>>
      %dma_start3A = arith.constant 0 : i32
      %dma_start3A_33 = tpu.memref_slice %arg9[%add3A_23, %dma_start3A] : memref<10240x128xf32, #tpu.memory_space<vmem_shared>> -> memref<80x128xf32, #tpu.memory_space<vmem_shared>>
      %dma_start3A_34 = arith.constant 0 : i32
      %dma_start3A_35 = tpu.memref_slice %arg9[%add3A_23, %dma_start3A_34] : memref<10240x128xf32, #tpu.memory_space<vmem_shared>> -> memref<80x128xf32, #tpu.memory_space<vmem_shared>>
      tpu.enqueue_dma source(%arg8 : memref<80x128xf32, #tpu.memory_space<vmem>>) target(%dma_start3A_35 : memref<80x128xf32, #tpu.memory_space<vmem_shared>>) target_semaphore(%run_scoped3A : memref<!tpu.dma_semaphore, #tpu.memory_space<semaphore_mem>>)
      %dma_wait3A = arith.constant 0 : i32
      %dma_wait3A_36 = tpu.memref_slice %arg9[%add3A_23, %dma_wait3A] : memref<10240x128xf32, #tpu.memory_space<vmem_shared>> -> memref<80x128xf32, #tpu.memory_space<vmem_shared>>
      %dma_wait3A_37 = arith.constant 0 : i32
      %dma_wait3A_38 = tpu.memref_slice %arg9[%add3A_23, %dma_wait3A_37] : memref<10240x128xf32, #tpu.memory_space<vmem_shared>> -> memref<80x128xf32, #tpu.memory_space<vmem_shared>>
      tpu.wait_dma2 semaphore(%run_scoped3A : memref<!tpu.dma_semaphore, #tpu.memory_space<semaphore_mem>>) src(%arg8 : memref<80x128xf32, #tpu.memory_space<vmem>>) dst(%dma_wait3A_38 : memref<80x128xf32, #tpu.memory_space<vmem_shared>>)
      tpu.yield
    }) : () -> ()
    %barrier3A = arith.constant 0 : index
    tpu.barrier barrier_id(%barrier3A)
    %scan3A_24 = arith.constant 0 : i32
    %scan3A_25 = arith.constant 0 : i32
    %scan3A_26 = arith.constant 125 : i32
    %scan3A_27 = arith.addi %scan3A_25, %scan3A_26 : i32
    %scan3A_28 = arith.constant 1 : i32
    scf.for %scan3A_33 = %scan3A_25 to %scan3A_27 step %scan3A_28  : i32 {
      %mul3A_34 = arith.constant 10000 : i32
      %mul3A_35 = arith.muli %add3A, %mul3A_34 : i32
      %mul3A_36 = arith.constant 80 : i32
      %mul3A_37 = arith.muli %scan3A_33, %mul3A_36 : i32
      %add3A_38 = arith.addi %mul3A_35, %mul3A_37 : i32
      "tpu.region"() ({
        %run_scoped3A = tpu.sem_alloc : memref<!tpu.dma_semaphore, #tpu.memory_space<semaphore_mem>>
        %dma_start3A_43 = tpu.memref_slice %arg3[%add3A_38] : memref<320000xi32, #tpu.memory_space<hbm>> -> memref<80xi32, #tpu.memory_space<hbm>>
        %dma_start3A_44 = tpu.memref_slice %arg3[%add3A_38] : memref<320000xi32, #tpu.memory_space<hbm>> -> memref<80xi32, #tpu.memory_space<hbm>>
        tpu.enqueue_dma source(%dma_start3A_44 : memref<80xi32, #tpu.memory_space<hbm>>) target(%arg6 : memref<80xi32, #tpu.memory_space<vmem>>) target_semaphore(%run_scoped3A : memref<!tpu.dma_semaphore, #tpu.memory_space<semaphore_mem>>)
        %dma_wait3A_45 = tpu.memref_slice %arg3[%add3A_38] : memref<320000xi32, #tpu.memory_space<hbm>> -> memref<80xi32, #tpu.memory_space<hbm>>
        %dma_wait3A_46 = tpu.memref_slice %arg3[%add3A_38] : memref<320000xi32, #tpu.memory_space<hbm>> -> memref<80xi32, #tpu.memory_space<hbm>>
        tpu.wait_dma2 semaphore(%run_scoped3A : memref<!tpu.dma_semaphore, #tpu.memory_space<semaphore_mem>>) src(%dma_wait3A_46 : memref<80xi32, #tpu.memory_space<hbm>>) dst(%arg6 : memref<80xi32, #tpu.memory_space<vmem>>)
        tpu.yield
      }) : () -> ()
      "tpu.region"() ({
        %run_scoped3A = tpu.sem_alloc : memref<!tpu.dma_semaphore, #tpu.memory_space<semaphore_mem>>
        %dma_start3A_43 = tpu.memref_slice %arg4[%add3A_38] : memref<320000xi32, #tpu.memory_space<hbm>> -> memref<80xi32, #tpu.memory_space<hbm>>
        %dma_start3A_44 = tpu.memref_slice %arg4[%add3A_38] : memref<320000xi32, #tpu.memory_space<hbm>> -> memref<80xi32, #tpu.memory_space<hbm>>
        tpu.enqueue_dma source(%dma_start3A_44 : memref<80xi32, #tpu.memory_space<hbm>>) target(%arg7 : memref<80xi32, #tpu.memory_space<vmem>>) target_semaphore(%run_scoped3A : memref<!tpu.dma_semaphore, #tpu.memory_space<semaphore_mem>>)
        %dma_wait3A_45 = tpu.memref_slice %arg4[%add3A_38] : memref<320000xi32, #tpu.memory_space<hbm>> -> memref<80xi32, #tpu.memory_space<hbm>>
        %dma_wait3A_46 = tpu.memref_slice %arg4[%add3A_38] : memref<320000xi32, #tpu.memory_space<hbm>> -> memref<80xi32, #tpu.memory_space<hbm>>
        tpu.wait_dma2 semaphore(%run_scoped3A : memref<!tpu.dma_semaphore, #tpu.memory_space<semaphore_mem>>) src(%dma_wait3A_46 : memref<80xi32, #tpu.memory_space<hbm>>) dst(%arg7 : memref<80xi32, #tpu.memory_space<vmem>>)
        tpu.yield
      }) : () -> ()
      %dma_start3A = arith.constant 0 : i32
      %dma_start3A_39 = arith.constant 0 : i32
      %dma_start3A_40 = tpu.memref_slice %arg2[%dma_start3A, %dma_start3A_39] : memref<10240x128xf32, #tpu.memory_space<hbm>> -> memref<10240x128xf32, #tpu.memory_space<hbm>>
      tpu.enqueue_indirect_dma source(%dma_start3A_40 : memref<10240x128xf32, #tpu.memory_space<hbm>>) target(%arg8 : memref<80x128xf32, #tpu.memory_space<vmem>>) offsets(%arg6 : memref<80xi32, #tpu.memory_space<vmem>>) semaphore(%arg10 : memref<!tpu.dma_semaphore, #tpu.memory_space<semaphore_mem>>)
      %dma_wait3A = arith.constant 0 : i32
      %dma_wait3A_41 = arith.constant 0 : i32
      %dma_wait3A_42 = tpu.memref_slice %arg2[%dma_wait3A, %dma_wait3A_41] : memref<10240x128xf32, #tpu.memory_space<hbm>> -> memref<10240x128xf32, #tpu.memory_space<hbm>>
      tpu.wait_indirect_dma semaphore(%arg10 : memref<!tpu.dma_semaphore, #tpu.memory_space<semaphore_mem>>) src(%dma_wait3A_42 : memref<10240x128xf32, #tpu.memory_space<hbm>>) dst(%arg8 : memref<80x128xf32, #tpu.memory_space<vmem>>)
      "tpu.region"() ({
        %run_scoped3A = tpu.sem_alloc : memref<!tpu.dma_semaphore, #tpu.memory_space<semaphore_mem>>
        %dma_start3A_43 = arith.constant 0 : i32
        %dma_start3A_44 = arith.constant 0 : i32
        %dma_start3A_45 = tpu.memref_slice %arg9[%dma_start3A_43, %dma_start3A_44] : memref<10240x128xf32, #tpu.memory_space<vmem_shared>> -> memref<10240x128xf32, #tpu.memory_space<vmem_shared>>
        tpu.enqueue_indirect_dma source(%arg8 : memref<80x128xf32, #tpu.memory_space<vmem>>) target(%dma_start3A_45 : memref<10240x128xf32, #tpu.memory_space<vmem_shared>>) offsets(%arg7 : memref<80xi32, #tpu.memory_space<vmem>>) semaphore(%run_scoped3A : memref<!tpu.dma_semaphore, #tpu.memory_space<semaphore_mem>>) {add = true}
        %dma_wait3A_46 = arith.constant 0 : i32
        %dma_wait3A_47 = arith.constant 0 : i32
        %dma_wait3A_48 = tpu.memref_slice %arg9[%dma_wait3A_46, %dma_wait3A_47] : memref<10240x128xf32, #tpu.memory_space<vmem_shared>> -> memref<10240x128xf32, #tpu.memory_space<vmem_shared>>
        tpu.wait_indirect_dma semaphore(%run_scoped3A : memref<!tpu.dma_semaphore, #tpu.memory_space<semaphore_mem>>) src(%arg8 : memref<80x128xf32, #tpu.memory_space<vmem>>) dst(%dma_wait3A_48 : memref<10240x128xf32, #tpu.memory_space<vmem_shared>>)
        tpu.yield
      }) : () -> ()
    }
    %scan3A_29 = arith.constant 125 : i32
    %barrier3A_30 = arith.constant 0 : index
    tpu.barrier barrier_id(%barrier3A_30)
    %mul3A_31 = arith.constant 640 : i32
    %mul3A_32 = arith.muli %arg1, %mul3A_31 : i32
    "tpu.region"() ({
      %run_scoped3A = tpu.sem_alloc : memref<!tpu.dma_semaphore, #tpu.memory_space<semaphore_mem>>
      %dma_start3A = arith.constant 0 : i32
      %dma_start3A_33 = tpu.memref_slice %arg5[%arg0, %mul3A_32, %dma_start3A] : memref<2x10240x128xf32, #tpu.memory_space<hbm>> -> memref<1x640x128xf32, #tpu.memory_space<hbm>>
      %dma_start3A_34 = tpu.memref_squeeze %dma_start3A_33 : memref<1x640x128xf32, #tpu.memory_space<hbm>> -> memref<640x128xf32, #tpu.memory_space<hbm>>
      %dma_start3A_35 = arith.constant 0 : i32
      %dma_start3A_36 = tpu.memref_slice %arg9[%mul3A_32, %dma_start3A_35] : memref<10240x128xf32, #tpu.memory_space<vmem_shared>> -> memref<640x128xf32, #tpu.memory_space<vmem_shared>>
      tpu.enqueue_dma source(%dma_start3A_36 : memref<640x128xf32, #tpu.memory_space<vmem_shared>>) target(%dma_start3A_34 : memref<640x128xf32, #tpu.memory_space<hbm>>) target_semaphore(%run_scoped3A : memref<!tpu.dma_semaphore, #tpu.memory_space<semaphore_mem>>)
      %dma_wait3A = arith.constant 0 : i32
      %dma_wait3A_37 = tpu.memref_slice %arg5[%arg0, %mul3A_32, %dma_wait3A] : memref<2x10240x128xf32, #tpu.memory_space<hbm>> -> memref<1x640x128xf32, #tpu.memory_space<hbm>>
      %dma_wait3A_38 = tpu.memref_squeeze %dma_wait3A_37 : memref<1x640x128xf32, #tpu.memory_space<hbm>> -> memref<640x128xf32, #tpu.memory_space<hbm>>
      %dma_wait3A_39 = arith.constant 0 : i32
      %dma_wait3A_40 = tpu.memref_slice %arg9[%mul3A_32, %dma_wait3A_39] : memref<10240x128xf32, #tpu.memory_space<vmem_shared>> -> memref<640x128xf32, #tpu.memory_space<vmem_shared>>
      tpu.wait_dma2 semaphore(%run_scoped3A : memref<!tpu.dma_semaphore, #tpu.memory_space<semaphore_mem>>) src(%dma_wait3A_40 : memref<640x128xf32, #tpu.memory_space<vmem_shared>>) dst(%dma_wait3A_38 : memref<640x128xf32, #tpu.memory_space<hbm>>)
      tpu.yield
    }) : () -> ()
    return
  }
}

module attributes {stable_mosaic.version = 14 : i64} {
  func.func @_scale_kernel_body(%arg0: memref<10240x128xf32, #tpu.memory_space<vmem>>, %arg1: memref<2x2x10240x128xf32, #tpu.memory_space<vmem>>, %arg2: memref<10240x128xf32, #tpu.memory_space<vmem>>, %arg3: memref<10240x1xf32, #tpu.memory_space<vmem>>, %arg4: memref<10240x1xf32, #tpu.memory_space<vmem>>) attributes {dimension_semantics = [], scalar_prefetch = 0 : i64, scratch_operands = 0 : i64, tpu.core_type = #tpu.core_type<tc>} {
    %get3A = arith.constant 0 : index
    %get3A_0 = arith.constant 0 : index
    %get3A_1 = arith.constant 0 : index
    %get3A_2 = arith.constant 0 : index
    %get3A_3 = vector.load %arg1[%get3A, %get3A_0, %get3A_1, %get3A_2] : memref<2x2x10240x128xf32, #tpu.memory_space<vmem>>, vector<1x1x10240x1xf32>
    %get3A_4 = vector.shape_cast %get3A_3 : vector<1x1x10240x1xf32> to vector<10240x1xf32>
    %get3A_5 = arith.constant 1 : index
    %get3A_6 = arith.constant 0 : index
    %get3A_7 = arith.constant 0 : index
    %get3A_8 = arith.constant 0 : index
    %get3A_9 = vector.load %arg1[%get3A_5, %get3A_6, %get3A_7, %get3A_8] : memref<2x2x10240x128xf32, #tpu.memory_space<vmem>>, vector<1x1x10240x1xf32>
    %get3A_10 = vector.shape_cast %get3A_9 : vector<1x1x10240x1xf32> to vector<10240x1xf32>
    %add3A = arith.addf %get3A_4, %get3A_10 : vector<10240x1xf32>
    %get3A_11 = arith.constant 0 : index
    %get3A_12 = arith.constant 1 : index
    %get3A_13 = arith.constant 0 : index
    %get3A_14 = arith.constant 0 : index
    %get3A_15 = vector.load %arg1[%get3A_11, %get3A_12, %get3A_13, %get3A_14] : memref<2x2x10240x128xf32, #tpu.memory_space<vmem>>, vector<1x1x10240x1xf32>
    %get3A_16 = vector.shape_cast %get3A_15 : vector<1x1x10240x1xf32> to vector<10240x1xf32>
    %get3A_17 = arith.constant 1 : index
    %get3A_18 = arith.constant 1 : index
    %get3A_19 = arith.constant 0 : index
    %get3A_20 = arith.constant 0 : index
    %get3A_21 = vector.load %arg1[%get3A_17, %get3A_18, %get3A_19, %get3A_20] : memref<2x2x10240x128xf32, #tpu.memory_space<vmem>>, vector<1x1x10240x1xf32>
    %get3A_22 = vector.shape_cast %get3A_21 : vector<1x1x10240x1xf32> to vector<10240x1xf32>
    %add3A_23 = arith.addf %get3A_16, %get3A_22 : vector<10240x1xf32>
    %max3A = arith.constant 1.000000e+00 : f32
    %max3A_24 = vector.broadcast %max3A : f32 to vector<10240x1xf32>
    %max3A_25 = arith.maximumf %add3A, %max3A_24 : vector<10240x1xf32>
    %rsqrt3A = math.rsqrt %max3A_25 : vector<10240x1xf32>
    %max3A_26 = arith.constant 1.000000e+00 : f32
    %max3A_27 = vector.broadcast %max3A_26 : f32 to vector<10240x1xf32>
    %max3A_28 = arith.maximumf %add3A_23, %max3A_27 : vector<10240x1xf32>
    %rsqrt3A_29 = math.rsqrt %max3A_28 : vector<10240x1xf32>
    %get3A_30 = arith.constant 0 : index
    %get3A_31 = arith.constant 0 : index
    %get3A_32 = vector.load %arg0[%get3A_30, %get3A_31] : memref<10240x128xf32, #tpu.memory_space<vmem>>, vector<10240x128xf32>
    %mul3A = vector.broadcast %rsqrt3A : vector<10240x1xf32> to vector<10240x128xf32>
    %mul3A_33 = arith.mulf %get3A_32, %mul3A : vector<10240x128xf32>
    %swap3A = arith.constant 0 : index
    %swap3A_34 = arith.constant 0 : index
    %swap3A_35 = vector.load %arg2[%swap3A, %swap3A_34] : memref<10240x128xf32, #tpu.memory_space<vmem>>, vector<10240x128xf32>
    tpu.vector_store %arg2[%swap3A, %swap3A_34], %mul3A_33 {strides = array<i32>} : memref<10240x128xf32, #tpu.memory_space<vmem>>, vector<10240x128xf32>,
    %swap3A_36 = arith.constant 0 : index
    %swap3A_37 = arith.constant 0 : index
    %swap3A_38 = vector.load %arg3[%swap3A_36, %swap3A_37] : memref<10240x1xf32, #tpu.memory_space<vmem>>, vector<10240x1xf32>
    tpu.vector_store %arg3[%swap3A_36, %swap3A_37], %rsqrt3A {strides = array<i32>} : memref<10240x1xf32, #tpu.memory_space<vmem>>, vector<10240x1xf32>,
    %swap3A_39 = arith.constant 0 : index
    %swap3A_40 = arith.constant 0 : index
    %swap3A_41 = vector.load %arg4[%swap3A_39, %swap3A_40] : memref<10240x1xf32, #tpu.memory_space<vmem>>, vector<10240x1xf32>
    tpu.vector_store %arg4[%swap3A_39, %swap3A_40], %rsqrt3A_29 {strides = array<i32>} : memref<10240x1xf32, #tpu.memory_space<vmem>>, vector<10240x1xf32>,
    return
  }
}

module attributes {stable_mosaic.version = 14 : i64} {
  func.func @_dense_kernel_body(%arg0: memref<2x10240x128xf32, #tpu.memory_space<vmem>>, %arg1: memref<10240x1xf32, #tpu.memory_space<vmem>>, %arg2: memref<10240x1xf32, #tpu.memory_space<vmem>>, %arg3: memref<128x128xf32, #tpu.memory_space<vmem>>, %arg4: memref<1x128xf32, #tpu.memory_space<vmem>>, %arg5: memref<10240x128xf32, #tpu.memory_space<vmem>>) attributes {dimension_semantics = [], scalar_prefetch = 0 : i64, scratch_operands = 0 : i64, tpu.core_type = #tpu.core_type<tc>} {
    %get3A = arith.constant 0 : index
    %get3A_0 = arith.constant 0 : index
    %get3A_1 = arith.constant 0 : index
    %get3A_2 = vector.load %arg0[%get3A, %get3A_0, %get3A_1] : memref<2x10240x128xf32, #tpu.memory_space<vmem>>, vector<1x10240x128xf32>
    %get3A_3 = vector.shape_cast %get3A_2 : vector<1x10240x128xf32> to vector<10240x128xf32>
    %get3A_4 = arith.constant 1 : index
    %get3A_5 = arith.constant 0 : index
    %get3A_6 = arith.constant 0 : index
    %get3A_7 = vector.load %arg0[%get3A_4, %get3A_5, %get3A_6] : memref<2x10240x128xf32, #tpu.memory_space<vmem>>, vector<1x10240x128xf32>
    %get3A_8 = vector.shape_cast %get3A_7 : vector<1x10240x128xf32> to vector<10240x128xf32>
    %add3A = arith.addf %get3A_3, %get3A_8 : vector<10240x128xf32>
    %get3A_9 = arith.constant 0 : index
    %get3A_10 = arith.constant 0 : index
    %get3A_11 = vector.load %arg1[%get3A_9, %get3A_10] : memref<10240x1xf32, #tpu.memory_space<vmem>>, vector<10240x1xf32>
    %mul3A = vector.broadcast %get3A_11 : vector<10240x1xf32> to vector<10240x128xf32>
    %mul3A_12 = arith.mulf %add3A, %mul3A : vector<10240x128xf32>
    %get3A_13 = arith.constant 0 : index
    %get3A_14 = arith.constant 0 : index
    %get3A_15 = vector.load %arg3[%get3A_13, %get3A_14] : memref<128x128xf32, #tpu.memory_space<vmem>>, vector<128x128xf32>
    %dot_general3A = arith.constant dense<0.000000e+00> : vector<10240x128xf32>
    %dot_general3A_16 = tpu.matmul %mul3A_12, %get3A_15, %dot_general3A {dimension_numbers = #tpu.dot_dimension_numbers<[1], [0], [0], [1], [0, 0, 1, 1], [], []>, transpose_lhs_hint = false} : vector<10240x128xf32>, vector<128x128xf32>, vector<10240x128xf32> -> vector<10240x128xf32>
    %get3A_17 = arith.constant 0 : index
    %get3A_18 = arith.constant 0 : index
    %get3A_19 = vector.load %arg4[%get3A_17, %get3A_18] : memref<1x128xf32, #tpu.memory_space<vmem>>, vector<1x128xf32>
    %add3A_20 = vector.broadcast %get3A_19 : vector<1x128xf32> to vector<10240x128xf32>
    %add3A_21 = arith.addf %dot_general3A_16, %add3A_20 : vector<10240x128xf32>
    %max3A = arith.constant 0.000000e+00 : f32
    %max3A_22 = vector.broadcast %max3A : f32 to vector<10240x128xf32>
    %max3A_23 = arith.maximumf %add3A_21, %max3A_22 : vector<10240x128xf32>
    %get3A_24 = arith.constant 0 : index
    %get3A_25 = arith.constant 0 : index
    %get3A_26 = vector.load %arg2[%get3A_24, %get3A_25] : memref<10240x1xf32, #tpu.memory_space<vmem>>, vector<10240x1xf32>
    %mul3A_27 = vector.broadcast %get3A_26 : vector<10240x1xf32> to vector<10240x128xf32>
    %mul3A_28 = arith.mulf %max3A_23, %mul3A_27 : vector<10240x128xf32>
    %swap3A = arith.constant 0 : index
    %swap3A_29 = arith.constant 0 : index
    %swap3A_30 = vector.load %arg5[%swap3A, %swap3A_29] : memref<10240x128xf32, #tpu.memory_space<vmem>>, vector<10240x128xf32>
    tpu.vector_store %arg5[%swap3A, %swap3A_29], %mul3A_28 {strides = array<i32>} : memref<10240x128xf32, #tpu.memory_space<vmem>>, vector<10240x128xf32>,
    return
  }
}

module attributes {stable_mosaic.version = 14 : i64} {
  func.func @_dense_kernel_body(%arg0: memref<2x10240x128xf32, #tpu.memory_space<vmem>>, %arg1: memref<10240x1xf32, #tpu.memory_space<vmem>>, %arg2: memref<10240x1xf32, #tpu.memory_space<vmem>>, %arg3: memref<128x128xf32, #tpu.memory_space<vmem>>, %arg4: memref<1x128xf32, #tpu.memory_space<vmem>>, %arg5: memref<10240x128xf32, #tpu.memory_space<vmem>>) attributes {dimension_semantics = [], scalar_prefetch = 0 : i64, scratch_operands = 0 : i64, tpu.core_type = #tpu.core_type<tc>} {
    %get3A = arith.constant 0 : index
    %get3A_0 = arith.constant 0 : index
    %get3A_1 = arith.constant 0 : index
    %get3A_2 = vector.load %arg0[%get3A, %get3A_0, %get3A_1] : memref<2x10240x128xf32, #tpu.memory_space<vmem>>, vector<1x10240x128xf32>
    %get3A_3 = vector.shape_cast %get3A_2 : vector<1x10240x128xf32> to vector<10240x128xf32>
    %get3A_4 = arith.constant 1 : index
    %get3A_5 = arith.constant 0 : index
    %get3A_6 = arith.constant 0 : index
    %get3A_7 = vector.load %arg0[%get3A_4, %get3A_5, %get3A_6] : memref<2x10240x128xf32, #tpu.memory_space<vmem>>, vector<1x10240x128xf32>
    %get3A_8 = vector.shape_cast %get3A_7 : vector<1x10240x128xf32> to vector<10240x128xf32>
    %add3A = arith.addf %get3A_3, %get3A_8 : vector<10240x128xf32>
    %get3A_9 = arith.constant 0 : index
    %get3A_10 = arith.constant 0 : index
    %get3A_11 = vector.load %arg1[%get3A_9, %get3A_10] : memref<10240x1xf32, #tpu.memory_space<vmem>>, vector<10240x1xf32>
    %mul3A = vector.broadcast %get3A_11 : vector<10240x1xf32> to vector<10240x128xf32>
    %mul3A_12 = arith.mulf %add3A, %mul3A : vector<10240x128xf32>
    %get3A_13 = arith.constant 0 : index
    %get3A_14 = arith.constant 0 : index
    %get3A_15 = vector.load %arg3[%get3A_13, %get3A_14] : memref<128x128xf32, #tpu.memory_space<vmem>>, vector<128x128xf32>
    %dot_general3A = arith.constant dense<0.000000e+00> : vector<10240x128xf32>
    %dot_general3A_16 = tpu.matmul %mul3A_12, %get3A_15, %dot_general3A {dimension_numbers = #tpu.dot_dimension_numbers<[1], [0], [0], [1], [0, 0, 1, 1], [], []>, transpose_lhs_hint = false} : vector<10240x128xf32>, vector<128x128xf32>, vector<10240x128xf32> -> vector<10240x128xf32>
    %get3A_17 = arith.constant 0 : index
    %get3A_18 = arith.constant 0 : index
    %get3A_19 = vector.load %arg4[%get3A_17, %get3A_18] : memref<1x128xf32, #tpu.memory_space<vmem>>, vector<1x128xf32>
    %add3A_20 = vector.broadcast %get3A_19 : vector<1x128xf32> to vector<10240x128xf32>
    %add3A_21 = arith.addf %dot_general3A_16, %add3A_20 : vector<10240x128xf32>
    %max3A = arith.constant 0.000000e+00 : f32
    %max3A_22 = vector.broadcast %max3A : f32 to vector<10240x128xf32>
    %max3A_23 = arith.maximumf %add3A_21, %max3A_22 : vector<10240x128xf32>
    %swap3A = arith.constant 0 : index
    %swap3A_24 = arith.constant 0 : index
    %swap3A_25 = vector.load %arg5[%swap3A, %swap3A_24] : memref<10240x128xf32, #tpu.memory_space<vmem>>, vector<10240x128xf32>
    tpu.vector_store %arg5[%swap3A, %swap3A_24], %max3A_23 {strides = array<i32>} : memref<10240x128xf32, #tpu.memory_space<vmem>>, vector<10240x128xf32>,
    return
  }
}

</mosaic_0001>

<sc_bundles>
// kernel: kernel.11.cloned.1.call-start
scs
__scs_entry_jumppad:
0x0: {  	(pc) =	sbr.rel $0x88, $3  }
0x1: {  	(tag) =	ssettag $0x0;
	lr =	simm.s32 $0x1  }
0x2: {  	[smem:$0x3F9B] =	sst lr;
	_ =	strace $0xD0000000  }
0x3: {  	_ = 	snop  }
0x4: {  	_ = 	snop  }
0x5: {  	_ = 	snop  }
0x6: {  	_ = 	snop  }
0x7: {  	_ = 	snop  }
__scs_overlays_trampoline_lowered:
0x8: {  	[smem:$0x3FAA] =	sst s0  }
0x9: {  	[smem:$0x3FAB] =	sst s1  }
0xa: {  	[smem:$0x3FAC] =	sst s2  }
0xb: {  	[smem:$0x3FAD] =	sst s3  }
0xc: {  	[smem:$0x3FAE] =	sst s4  }
0xd: {  	[smem:$0x3FAF] =	sst s5  }
0xe: {  	[smem:$0x3FB0] =	sst s6  }
0xf: {  	[smem:$0x3FB1] =	sst s7  }
0x10: {  	[smem:$0x3FB2] =	sst s8  }
0x11: {  	[smem:$0x3FB3] =	sst s9;
	s0 =	simm.s32 @!p0 $0x0  }
0x12: {  	s1 =	sld [smem:$0x3F99];
	s0 =	simm.s32 @p0 $0x1  }
0x13: {  	[smem:$0x3FB4] =	sst s0;
	s0 =	simm.s32 @!p1 $0x0  }
0x14: {  	s2 =	sld [smem:$0x3F98];
	s0 =	simm.s32 @p1 $0x1  }
0x15: {  	[smem:$0x3FB5] =	sst s0;
	s0 =	simm.s32 @!p2 $0x0  }
0x16: {  	s3 =	sld [smem:$0x3FDB];
	s0 =	simm.s32 @p2 $0x1  }
0x17: {  	s4 =	simm.s32 $0x1BF5;
	[smem:$0x3FB7] =	sst s0  }
0x18: {  	s0 =	sld [smem:$0x3F9A];
	_ =	swait.ge [sflag:s4], $0x0  }
0x19: {  	s7 =	sld [smem:$0x3F9B]  }
0x1a: {  	s8 =	sadd.s32 $0xFFFFE003, lr  }
0x1b: {  	s9 =	sadd.s32 $0xFFFFFEF7, lr;
	s5 =	simm.s32 $0xFFFFFFFF;
	p2 =	slt.u32 s8, $0xFFFFF086  }
0x1c: {  	p1 =	slt.u32 s9, $0xF7A;
	s5 =	simm.s32 @!p2 $0x0  }
0x1d: {  	s5 =	simm.s32 @p1 $0x1;
	p0 =	seq.s32 s7, s2  }
0x1e: {  	s7 =	smul.u32 @!p0 $0xF7A, s2;
	p2 =	seq.s32 @!p0 s5, $0x0  }
0x1f: {  	s9 =	smul.u32 $0xF7A, s1;
	s8 =	simm.s32 @!p0 $0x1BF5;
	p2 =	por !p2, p0  }
0x20: {  	[sflag:s8] =	ssyncset.s32 @!p0 $0xFFFFF086;
	s6 =	sadd.s32 @!p0 s3, s7;
	s7 =	simm.s32 @!p0 $0x108  }
0x21: {  	s3 =	sadd.s32 s3, s9;
	s6 =	sadd.s32 @!p0 $0x88, s6;
	s7 =	simm.s32 @p2 $0x1082  }
0x22: {  	[simem:s7], [sflag:s8] =	dma.local @!p0 [hbm:s6], $0xF7A  }
0x23: {  	s9 =	sor.u32 $0xD0000000, s2;
	s6 =	simm.s32 $0x108;
	_ =	swait.ge @!p0 [sflag:s8], $0x0  }
0x24: {  	s3 =	sadd.s32 $0x88, s3;
	s6 =	simm.s32 @!p1 $0x1082;
	[sflag:s4] =	ssyncset.s32 $0xFFFFF086  }
0x25: {  	[simem:s6], [sflag:s4] =	dma.local [hbm:s3], $0xF7A  }
0x26: {  	[smem:$0x3F9B] =	sst s1;
	(tag) =	ssettag s2;
	_ =	strace s9  }
0x27: {  	s1 =	sld [smem:$0x3FAB]  }
0x28: {  	s2 =	sld [smem:$0x3FAC]  }
0x29: {  	s4 =	sld [smem:$0x3FAE]  }
0x2a: {  	p0 =	seq.s32 s5, $0x0;
	s5 =	sld [smem:$0x3FAF]  }
0x2b: {  	s6 =	sld [smem:$0x3FB0]  }
0x2c: {  	s7 =	sld [smem:$0x3FB1]  }
0x2d: {  	s3 =	simm.s32 $0x108;
	s8 =	sld [smem:$0x3FB2]  }
0x2e: {  	s3 =	simm.s32 @!p0 $0x1082;
	s9 =	sld [smem:$0x3FB3]  }
0x2f: {  	lr =	sadd.s32 s0, s3;
	s0 =	sld [smem:$0x3FAA]  }
0x30: {  	s3 =	sld [smem:$0x3FAD]  }
0x31: {  	[smem:$0x3FB6] =	sst s10  }
0x32: {  	s10 =	sld [smem:$0x3FB4];
	_ =	sdelay $0x3  }
0x33: {  	p0 =	seq.s32 s10, $0x1;
	s10 =	sld [smem:$0x3FB6];
	_ =	sdelay $0x3  }
0x34: {  	[smem:$0x3FB6] =	sst s10  }
0x35: {  	s10 =	sld [smem:$0x3FB5];
	_ =	sdelay $0x3  }
0x36: {  	p1 =	seq.s32 s10, $0x1;
	s10 =	sld [smem:$0x3FB6];
	_ =	sdelay $0x3  }
0x37: {  	[smem:$0x3FB6] =	sst s10  }
0x38: {  	s10 =	sld [smem:$0x3FB7]  }
0x39: {  	_ = 	snop;
	(pc) =	sbr.ind lr, $3  }
0x3a: {  	_ = 	snop  }
0x3b: {  	_ = 	snop  }
0x3c: {  	p2 =	seq.s32 s10, $0x1;
	s10 =	sld [smem:$0x3FB6]  }
0x3d: {  	_ =	shalt  }
0x3e: {  	_ =	shalt  }
0x3f: {  	_ =	shalt  }
0x40: {  	_ =	shalt  }
0x41: {  	_ =	shalt  }
0x42: {  	_ =	shalt  }
0x43: {  	_ =	shalt  }
0x44: {  	_ =	shalt  }
0x45: {  	_ =	shalt  }
0x46: {  	_ =	shalt  }
0x47: {  	_ =	shalt  }
0x48: {  	_ =	shalt  }
0x49: {  	_ =	shalt  }
0x4a: {  	_ =	shalt  }
0x4b: {  	_ =	shalt  }
0x4c: {  	_ =	shalt  }
0x4d: {  	_ =	shalt  }
0x4e: {  	_ =	shalt  }
0x4f: {  	_ =	shalt  }
0x50: {  	_ =	shalt  }
0x51: {  	_ =	shalt  }
0x52: {  	_ =	shalt  }
0x53: {  	_ =	shalt  }
0x54: {  	_ =	shalt  }
0x55: {  	_ =	shalt  }
0x56: {  	_ =	shalt  }
0x57: {  	_ =	shalt  }
0x58: {  	_ =	shalt  }
0x59: {  	_ =	shalt  }
0x5a: {  	_ =	shalt  }
0x5b: {  	_ =	shalt  }
0x5c: {  	_ =	shalt  }
0x5d: {  	_ =	shalt  }
0x5e: {  	_ =	shalt  }
0x5f: {  	_ =	shalt  }
0x60: {  	_ =	shalt  }
0x61: {  	_ =	shalt  }
0x62: {  	_ =	shalt  }
0x63: {  	_ =	shalt  }
0x64: {  	_ =	shalt  }
0x65: {  	_ =	shalt  }
0x66: {  	_ =	shalt  }
0x67: {  	_ =	shalt  }
0x68: {  	_ =	shalt  }
0x69: {  	_ =	shalt  }
0x6a: {  	_ =	shalt  }
0x6b: {  	_ =	shalt  }
0x6c: {  	_ =	shalt  }
0x6d: {  	_ =	shalt  }
0x6e: {  	_ =	shalt  }
0x6f: {  	_ =	shalt  }
0x70: {  	_ =	shalt  }
0x71: {  	_ =	shalt  }
0x72: {  	_ =	shalt  }
0x73: {  	_ =	shalt  }
0x74: {  	_ =	shalt  }
0x75: {  	_ =	shalt  }
0x76: {  	_ =	shalt  }
0x77: {  	_ =	shalt  }
0x78: {  	_ =	shalt  }
0x79: {  	_ =	shalt  }
0x7a: {  	_ =	shalt  }
0x7b: {  	_ =	shalt  }
0x7c: {  	_ =	shalt  }
0x7d: {  	_ =	shalt  }
0x7e: {  	_ =	shalt  }
0x7f: {  	_ =	shalt  }
0x80: {  	_ =	shalt  }
0x81: {  	_ =	shalt  }
0x82: {  	_ =	shalt  }
0x83: {  	_ =	shalt  }
0x84: {  	_ =	shalt  }
0x85: {  	_ =	shalt  }
0x86: {  	_ =	shalt  }
0x87: {  	_ =	shalt  }
.Lfunc_end0:
.L_simem_size_0:
called_computation.1_lowered:
.L_overlay_start_0:
0x88: {  	s2 =	sld [smem:$0x3FD9]  }
0x89: {  	s3 =	sld [smem:$0x3FFE];
	_ =	sdelay $0x1  }
0x8a: {  	s1 =	srdreg.scid  }
0x8b: {  	s0 =	sand.u32 $0x1, s1  }
0x8c: {  	s17 =	sshll.u32 s0, $0xA;
	s2 =	sadd.s32 s3, s2  }
0x8d: {  	s2 =	sadd.s32 s2, s17  }
0x8e: {  	[smem:$0x3FC2] =	sst s2  }
0x8f: {  	_ = 	snop  }
0x90: {  	s2 =	sld [smem:$0x3FD0];
	(tm) =	ssettm $0x1  }
0x91: {  	s18 =	sld [smem:$0x3FFB];
	_ =	sdelay $0x3  }
0x92: {  	_ =	strace s18  }
0x93: {  	s3 =	sld [smem:$0x3FFC];
	_ =	sdelay $0x3  }
0x94: {  	_ =	strace s3  }
0x95: {  	s3 =	sld [smem:$0x3FFD];
	_ =	sdelay $0x3  }
0x96: {  	_ =	strace s3  }
0x97: {  	_ =	strace $0x8FFFFFFF  }
0x98: {  	s19 =	sld [smem:$0x3FDB];
	_ =	sdelay $0x1  }
0x99: {  	s4 =	simm.s32 $_scs_section_size  }
0x9a: {  	s5 =	simm.s32 $_size__tile_overlayer_lowered;
	s6 =	simm.s32 $_tile_overlayer_lowered  }
0x9b: {  	s22 =	simm.s32 $0x1BFF;
	s21 =	sshll.u32 s6, $0x1;
	s3 =	sadd.s32 s4, s19  }
0x9c: {  	s7 =	simm.s32 $0x0;
	s20 =	sshll.u32 s5, $0x1;
	s5 =	sadd.s32 s21, s3  }
0x9d: {  	[timem:s7], [sflag:s22] =	dma.local [hbm:s5], s20  }
0x9e: {  	_ =	swait.ge [sflag:s22], s20  }
0x9f: {  	s4 =	ssub.s32 $0x0, s20;
	[sflag:s22] =	ssyncset.done $0x0  }
0xa0: {  	[sflag:s22] =	ssyncadd.s32 s4;
	_ =	sdelay $0x1  }
0xa1: {  	s23 =	simm.s32 $0x1B8B  }
0xa2: {  	_ =	swait.ge [sflag:s23], $0x1  }
0xa3: {  	[sflag:s23] =	ssyncset.done $0x0  }
0xa4: {  	s25 =	simm.s32 $0x1B8E;
	s24 =	sld [smem:$0x3FFE];
	[sflag:s23] =	ssyncadd.s32 $0xFFFFFFFF  }
0xa5: {  	s26 =	simm.s32 $execute0_lowered;
	[smem:$0x3FD2] =	sst s25  }
0xa6: {  	s5 =	sshll.u32 s26, $0x1;
	_ =	strace $0x80000049;
	[dreg:$0x1] =	wrdreg $0xFFFFFFFF  }
0xa7: {  	s28 =	simm.s32 $_size_execute0_lowered;
	s3 =	sadd.s32 s3, s5;
	[dreg:$0x0] =	wrdreg $0x0  }
0xa8: {  	s5 =	sshll.u32 s28, $0x1;
	[dreg:$0x2] =	wrdreg s3  }
0xa9: {  	[dreg:$0x3] =	wrdreg s5  }
0xaa: {  	[dreg:$0x4] =	wrdreg $0xC0  }
0xab: {  	_ =	task [dreg:s7], $0x5FFFF  }
0xac: {  	[dreg:$0x1] =	wrdreg $0xFFFFFFFF  }
0xad: {  	[dreg:$0x0] =	wrdreg $0x60  }
0xae: {  	[dreg:$0x2] =	wrdreg s24  }
0xaf: {  	[dreg:$0x3] =	wrdreg s2  }
0xb0: {  	[dreg:$0x4] =	wrdreg $0x29000  }
0xb1: {  	[dreg:$0x5] =	wrdreg $0x9  }
0xb2: {  	_ =	task.clear_ibuf [dreg:s7], $0x6FFFF;
	_ =	strace $0x90000049  }
0xb3: {  	s29 =	simm.s32 $0x9;
	_ =	strace $0x8000004B  }
0xb4: {  	_ =	swait.ge [sflag:s29], $0x1  }
0xb5: {  	[sflag:s29] =	ssyncadd.s32 $0xFFFFFFFF  }
0xb6: {  	_ =	strace $0x9000004B  }
0xb7: {  	_ =	sfence  }
0xb8: {  	s30 =	sld [smem:$0x0];
	_ =	sdelay $0x2  }
0xb9: {  	s31 =	sshll.u32 s1, $0xD;
	s1 =	sshrl.u32 s1, $0x2  }
0xba: {  	s3 =	sand.u32 $0x4000, s31;
	s1 =	sadd.s32 s1, s30  }
0xbb: {  	s0 =	sor.u32 s3, s0;
	s1 =	sshll.u32 s1, $0x11  }
0xbc: {  	s0 =	sor.u32 s1, s0  }
0xbd: {  	s0 =	sadd.s32 $0x8F2B, s0  }
0xbe: {  	[sflag:s0] =	ssyncadd.remote.s32 $0x1  }
0xbf: {  	_ =	sfence.sel $0xFFFF  }
0xc0: {  	[dreg:$0x0] =	wrdreg $0xFFFFFFFF;
	(pc) =	sbr.abs _section_cstart, $3  }
0xc1: {  	[dreg:$0x1] =	wrdreg $0xFFFFFFFF  }
0xc2: {  	_ =	task.clear_ibuf [dreg:s7], $0x2FFFF;
	_ =	strace $0x9FFFFFFF  }
0xc3: {  	(tm) =	ssettm $0x7FFFFFFF  }
tec
execute0_lowered:
.L_overlay_start_1:
0x0: {  	(tag) =	ssettag $0x1  }
0x1: {  	s5 =	rddreg [dreg:$0x0]  }
0x2: {  	s1 =	srdreg.scid;
	s15 =	rddreg [dreg:$0x1]  }
0x3: {  	s0 =	stileid.u32;
	s2 =	rddreg [dreg:$0x2]  }
0x4: {  	s3 =	simm.s32 $0x0;
	s18 =	simm.s32 $0x2;
	s4 =	smul.u32 $0x4E20, s0  }
0x5: {  	s19 =	simm.s32 $0x80;
	s20 =	simm.s32 $0x50;
	s29 =	smul.u32 $0x14000, s0  }
0x6: {  	s21 =	simm.s32 $0x1;
	s6 =	sand.u32 $0x1, s1;
	s9 =	smul.u32 $0x50000, s0  }
0x7: {  	s22 =	simm.s32 $0x0;
	s1 =	rddreg [dreg:$0x3];
	s7 =	smul.u32 $0x2710, s6  }
0x8: {  	[smem:$0x7FF] =	sst s3;
	s8 =	smul.u32 $0x140000, s6;
	s6 =	ssub.s32 $0x2, s6  }
0x9: {  	_ =	strace $0x8000004A;
	s30 =	sshrl.u32 s9, $0x2;
	s31 =	sshrl.u32 s6, $0x1  }
0xa: {  	s4 =	sadd.s32 s7, s4;
	s7 =	sadd.s32 s29, s8;
	s14 =	ssub.s32 s6, s31  }
0xb: {  	s16 =	sshrl.u32 s4, $0x3;
	s4 =	sadd.s32 $0xB800, s5;
	s7 =	sshrl.u32 s7, $0x3  }
0xc: {  	s17 =	sadd.s32 s16, s5;
	s13 =	sadd.s32 s7, s5;
	s5 =	sadd.s32 s30, s2  }
0xd: {  	s14 =	smax.u32 s14, $0x1;
	s15 =	sadd.s32 s16, s15;
	s6 =	sadd.s32 $0x2800, s5  }
0xe: {  	s7 =	sadd.s32 $0x5000, s5;
	s8 =	sadd.s32 $0x7800, s5;
	s9 =	sadd.s32 $0xA000, s5  }
0xf: {  	s10 =	sadd.s32 $0xC800, s5;
	s11 =	sadd.s32 $0xF000, s5;
	s12 =	sadd.s32 $0x11800, s5  }
0x10: {  	v0 =	vimm.f32 $0.0e+00;
	s13 =	sadd.s32 $0x33800, s13;
	s16 =	sadd.s32 $0x1A00, s17;
	s17 =	simm.s32 $0x100  }
.LBB2_1:
0x11: {  	s23 =	simm.s32 $0x0;
	s24 =	simm.s32 $0x200  }
.LBB2_2:
0x12: {  	p0 =	sne.s32 s24, $0x9E00;
	[tilespmem:s23+$0x170] =	vst v0  }
0x13: {  	[tilespmem:s23+$0x100] =	vst v0  }
0x14: {  	[tilespmem:s23+$0x110] =	vst v0  }
.Ltmp0:
0x15: {  	[tilespmem:s23+$0x120] =	vst v0;
	(pc) =	sbr.rel @p0 .LBB2_2-.Ltmp0, $4  }
0x16: {  	[tilespmem:s23+$0x130] =	vst v0  }
0x17: {  	[tilespmem:s23+$0x140] =	vst v0  }
0x18: {  	[tilespmem:s23+$0x150] =	vst v0  }
0x19: {  	[tilespmem:s23+$0x160] =	vst v0;
	s23 =	sshra.s32 s24, $0x2;
	s24 =	sadd.s32 $0x200, s24  }
0x1a: {  	[tilespmem:s23+$0x170] =	vst v0  }
0x1b: {  	[tilespmem:s23+$0x100] =	vst v0  }
0x1c: {  	[tilespmem:s23+$0x110] =	vst v0  }
0x1d: {  	[tilespmem:s23+$0x120] =	vst v0  }
0x1e: {  	[tilespmem:s23+$0x130] =	vst v0  }
0x1f: {  	[tilespmem:s23+$0x140] =	vst v0  }
0x20: {  	[tilespmem:s23+$0x150] =	vst v0  }
0x21: {  	[tilespmem:s23+$0x160] =	vst v0  }
0x22: {  	[spmem:s5] =	stream.linear.scatter [tilespmem:s17], [sflag:$0x2], $0x2800, $0x38;
	[tilespmem:$0x16900] =	vst v63  }
0x23: {  	_ =	swait.ge [sflag:s18], $0x2800  }
0x24: {  	[sflag:s18] =	ssyncset.done $0x0  }
0x25: {  	[sflag:s18] =	ssyncadd.s32 $0xFFFFD800  }
0x26: {  	[spmem:s6] =	stream.linear.scatter [tilespmem:s17], [sflag:$0x2], $0x2800, $0x38;
	[tilespmem:$0x16900] =	vst v63  }
0x27: {  	_ =	swait.ge [sflag:s18], $0x2800  }
0x28: {  	[sflag:s18] =	ssyncset.done $0x0  }
0x29: {  	[sflag:s18] =	ssyncadd.s32 $0xFFFFD800  }
0x2a: {  	[spmem:s7] =	stream.linear.scatter [tilespmem:s17], [sflag:$0x2], $0x2800, $0x38;
	[tilespmem:$0x16900] =	vst v63  }
0x2b: {  	_ =	swait.ge [sflag:s18], $0x2800  }
0x2c: {  	[sflag:s18] =	ssyncset.done $0x0  }
0x2d: {  	[sflag:s18] =	ssyncadd.s32 $0xFFFFD800  }
0x2e: {  	[spmem:s8] =	stream.linear.scatter [tilespmem:s17], [sflag:$0x2], $0x2800, $0x38;
	[tilespmem:$0x16900] =	vst v63  }
0x2f: {  	_ =	swait.ge [sflag:s18], $0x2800  }
0x30: {  	[sflag:s18] =	ssyncset.done $0x0  }
0x31: {  	[sflag:s18] =	ssyncadd.s32 $0xFFFFD800  }
0x32: {  	[spmem:s9] =	stream.linear.scatter [tilespmem:s17], [sflag:$0x2], $0x2800, $0x38;
	[tilespmem:$0x16900] =	vst v63  }
0x33: {  	_ =	swait.ge [sflag:s18], $0x2800  }
0x34: {  	[sflag:s18] =	ssyncset.done $0x0  }
0x35: {  	[sflag:s18] =	ssyncadd.s32 $0xFFFFD800  }
0x36: {  	[spmem:s10] =	stream.linear.scatter [tilespmem:s17], [sflag:$0x2], $0x2800, $0x38;
	[tilespmem:$0x16900] =	vst v63  }
0x37: {  	_ =	swait.ge [sflag:s18], $0x2800  }
0x38: {  	[sflag:s18] =	ssyncset.done $0x0  }
0x39: {  	[sflag:s18] =	ssyncadd.s32 $0xFFFFD800  }
0x3a: {  	[spmem:s11] =	stream.linear.scatter [tilespmem:s17], [sflag:$0x2], $0x2800, $0x38;
	[tilespmem:$0x16900] =	vst v63  }
0x3b: {  	_ =	swait.ge [sflag:s18], $0x2800  }
0x3c: {  	[sflag:s18] =	ssyncset.done $0x0  }
0x3d: {  	[sflag:s18] =	ssyncadd.s32 $0xFFFFD800  }
0x3e: {  	[spmem:s12] =	stream.linear.scatter [tilespmem:s17], [sflag:$0x2], $0x2800, $0x38;
	[tilespmem:$0x16900] =	vst v63  }
0x3f: {  	_ =	swait.ge [sflag:s18], $0x2800  }
0x40: {  	[sflag:s18] =	ssyncset.done $0x0  }
0x41: {  	[sflag:s18] =	ssyncadd.s32 $0xFFFFD800  }
0x42: {  	s30 =	sadd.s32 $0x0, s16;
	[bflag:$0x0] =	sbarrier.arrive $0xFFFF  }
0x43: {  	[tilespmem:s3], [sflag:$0x2] =	stream.linear.gather [hbm4b:s30+s3], $0x50, $0x38;
	[tilespmem:$0x16900] =	vst v63  }
0x44: {  	_ =	swait.ge [sflag:s18], $0x50  }
0x45: {  	[sflag:s18] =	ssyncset.done $0x0  }
0x46: {  	s31 =	sadd.s32 $0x0, s15;
	[sflag:s18] =	ssyncadd.s32 $0xFFFFFFB0  }
0x47: {  	[tilespmem:s19], [sflag:$0x2] =	stream.linear.gather [hbm4b:s31+s3], $0x50, $0x38;
	[tilespmem:$0x16900] =	vst v63  }
0x48: {  	_ =	swait.ge [sflag:s18], $0x50  }
0x49: {  	[sflag:s18] =	ssyncset.done $0x0  }
0x4a: {  	[sflag:s18] =	ssyncadd.s32 $0xFFFFFFB0  }
0x4b: {  	[tilespmem:s17], [sflag:$0x1] =	stream.indirect.gather [hbm4b:s4+s20], $0x80, s3, s20, $0xb8;
	[tilespmem:$0x16900] =	vst v63  }
0x4c: {  	_ =	swait.ge [sflag:s21], $0x2800  }
0x4d: {  	[sflag:s21] =	ssyncset.done $0x0  }
0x4e: {  	[sflag:s21] =	ssyncadd.s32 $0xFFFFD800  }
0x4f: {  	[spmem:s2] =	stream.indirect.scatter.add.f32 [tilespmem:s17], [sflag:$0x2], $0x80, s19, s20, $0xb8;
	[tilespmem:$0x16900] =	vst v63  }
0x50: {  	_ =	swait.ge [sflag:s18], $0x2800  }
0x51: {  	s23 =	simm.s32 $0xA;
	s24 =	simm.s32 $0x14;
	[sflag:s18] =	ssyncset.done $0x0  }
.LBB2_4:
0x52: {  	s25 =	sadd.s32 s23, s16  }
0x53: {  	[sflag:s18] =	ssyncadd.s32 $0xFFFFD800;
	s26 =	smov.u32 s24;
	s28 =	sadd.s32 $0xA, s24  }
0x54: {  	[tilespmem:s3], [sflag:$0x2] =	stream.linear.gather [hbm4b:s25+s3], $0x50, $0x38;
	[tilespmem:$0x16900] =	vst v63  }
0x55: {  	p0 =	sne.s32 s24, $0x4D8;
	_ =	swait.ge [sflag:s18], $0x50  }
0x56: {  	[sflag:s18] =	ssyncset.done $0x0  }
0x57: {  	s24 =	sadd.s32 s23, s15;
	s23 =	smov.u32 s26;
	[sflag:s18] =	ssyncadd.s32 $0xFFFFFFB0  }
0x58: {  	[tilespmem:s19], [sflag:$0x2] =	stream.linear.gather [hbm4b:s24+s3], $0x50, $0x38;
	[tilespmem:$0x16900] =	vst v63  }
0x59: {  	_ =	swait.ge [sflag:s18], $0x50  }
0x5a: {  	[sflag:s18] =	ssyncset.done $0x0  }
0x5b: {  	[sflag:s18] =	ssyncadd.s32 $0xFFFFFFB0  }
0x5c: {  	[tilespmem:s17], [sflag:$0x1] =	stream.indirect.gather [hbm4b:s4+s20], $0x80, s3, s20, $0xb8;
	[tilespmem:$0x16900] =	vst v63  }
0x5d: {  	_ =	swait.ge [sflag:s21], $0x2800  }
.Ltmp1:
0x5e: {  	[sflag:s21] =	ssyncset.done $0x0;
	(pc) =	sbr.rel @p0 .LBB2_4-.Ltmp1, $4  }
0x5f: {  	[sflag:s21] =	ssyncadd.s32 $0xFFFFD800  }
0x60: {  	[spmem:s2] =	stream.indirect.scatter.add.f32 [tilespmem:s17], [sflag:$0x2], $0x80, s19, s20, $0xb8;
	[tilespmem:$0x16900] =	vst v63  }
0x61: {  	_ =	swait.ge [sflag:s18], $0x2800  }
0x62: {  	s24 =	smov.u32 s28;
	[sflag:s18] =	ssyncset.done $0x0  }
0x63: {  	s24 =	sadd.s32 s23, s16;
	[sflag:s18] =	ssyncadd.s32 $0xFFFFD800  }
0x64: {  	[tilespmem:s3], [sflag:$0x2] =	stream.linear.gather [hbm4b:s24+s3], $0x50, $0x38;
	[tilespmem:$0x16900] =	vst v63  }
0x65: {  	_ =	swait.ge [sflag:s18], $0x50  }
0x66: {  	[sflag:s18] =	ssyncset.done $0x0  }
0x67: {  	s29 =	sadd.s32 s23, s15;
	[sflag:s18] =	ssyncadd.s32 $0xFFFFFFB0  }
0x68: {  	[tilespmem:s19], [sflag:$0x2] =	stream.linear.gather [hbm4b:s29+s3], $0x50, $0x38;
	[tilespmem:$0x16900] =	vst v63  }
0x69: {  	_ =	swait.ge [sflag:s18], $0x50  }
0x6a: {  	[sflag:s18] =	ssyncset.done $0x0  }
0x6b: {  	[sflag:s18] =	ssyncadd.s32 $0xFFFFFFB0  }
0x6c: {  	[tilespmem:s17], [sflag:$0x1] =	stream.indirect.gather [hbm4b:s4+s20], $0x80, s3, s20, $0xb8;
	[tilespmem:$0x16900] =	vst v63  }
0x6d: {  	_ =	swait.ge [sflag:s21], $0x2800  }
0x6e: {  	[sflag:s21] =	ssyncset.done $0x0  }
0x6f: {  	[sflag:s21] =	ssyncadd.s32 $0xFFFFD800  }
0x70: {  	[spmem:s2] =	stream.indirect.scatter.add.f32 [tilespmem:s17], [sflag:$0x2], $0x80, s19, s20, $0xb8;
	[tilespmem:$0x16900] =	vst v63  }
0x71: {  	_ =	swait.ge [sflag:s18], $0x2800  }
0x72: {  	s30 =	sshll.u32 s0, $0x6;
	s22 =	sadd.s32 $0x1, s22;
	[sflag:s18] =	ssyncset.done $0x0  }
0x73: {  	s31 =	sshrl.u32 s5, $0x3;
	p0 =	sne.s32 s22, s14;
	[sflag:s18] =	ssyncadd.s32 $0xFFFFD800  }
.Ltmp2:
0x74: {  	s23 =	sor.u32 $0x1C02, s30;
	[bflag:$0x0] =	sbarrier.arrive $0xFFFF;
	(pc) =	sbr.rel @p0 .LBB2_1-.Ltmp2, $4  }
0x75: {  	[hbm:s13], [sflag:s23] =	dma.local [spmem:s31], $0x2800  }
0x76: {  	_ =	swait.ge [sflag:s18], $0x2800  }
0x77: {  	[sflag:s18] =	ssyncset.done $0x0  }
0x78: {  	[sflag:s18] =	ssyncadd.s32 $0xFFFFD800  }
0x79: {  	_ =	sfence.sel $0x180000  }
0x7a: {  	[bflag:$0x0] =	sbarrier.arrive $0xFFFF  }
0x7b: {  	p0 =	sne.s32 s0, $0x0;
	_ =	strace $0x9000004A  }
0x7c: {  	s0 =	sadd.s32 @!p0 $0x100000, s1;
	[bflag:$0x2] =	sbarrier.arrive $0xFFFF  }
0x7d: {  	[sflag:s0] =	ssyncadd.tile.s32 @!p0 $0x1;
	_ =	shalt  }
.Lfunc_end2:
_tile_overlayer_lowered:
.L_overlay_start_2:
0x7e: {  	(tag) =	ssettag $0x2  }
0x7f: {  	s0 =	rddreg [dreg:$0x0];
	s2 =	stileid.u32  }
0x80: {  	s1 =	rddreg [dreg:$0x1];
	p0 =	sne.s32 s2, $0x0  }
0x81: {  	s3 =	rddreg [dreg:$0x2];
	[bflag:$0x3] =	sbarrier.arrive $0xFFFF;
	s2 =	simm.s32 @!p0 $0x1C02  }
0x82: {  	[timem:s3], [sflag:s2] =	dma.local @!p0 [hbm:s0], s1  }
0x83: {  	s0 =	simm.s32 @!p0 $0x2  }
0x84: {  	_ =	swait.ge @!p0 [sflag:s0], s1  }
0x85: {  	s1 =	ssub.s32 @!p0 $0x0, s1;
	[sflag:s0] =	ssyncset.done @!p0 $0x0  }
0x86: {  	[sflag:s0] =	ssyncadd.s32 @!p0 s1  }
0x87: {  	[bflag:$0x3] =	sbarrier.arrive $0xFFFF  }
0x88: {  	_ =	shalt  }

// kernel: kernel.14.cloned.1.call-start
scs
__scs_entry_jumppad:
0x0: {  	(pc) =	sbr.rel $0x88, $3  }
0x1: {  	(tag) =	ssettag $0x0;
	lr =	simm.s32 $0x1  }
0x2: {  	[smem:$0x3F9B] =	sst lr;
	_ =	strace $0xD0000000  }
0x3: {  	_ = 	snop  }
0x4: {  	_ = 	snop  }
0x5: {  	_ = 	snop  }
0x6: {  	_ = 	snop  }
0x7: {  	_ = 	snop  }
__scs_overlays_trampoline_lowered:
0x8: {  	[smem:$0x3FAA] =	sst s0  }
0x9: {  	[smem:$0x3FAB] =	sst s1  }
0xa: {  	[smem:$0x3FAC] =	sst s2  }
0xb: {  	[smem:$0x3FAD] =	sst s3  }
0xc: {  	[smem:$0x3FAE] =	sst s4  }
0xd: {  	[smem:$0x3FAF] =	sst s5  }
0xe: {  	[smem:$0x3FB0] =	sst s6  }
0xf: {  	[smem:$0x3FB1] =	sst s7  }
0x10: {  	[smem:$0x3FB2] =	sst s8  }
0x11: {  	[smem:$0x3FB3] =	sst s9;
	s0 =	simm.s32 @!p0 $0x0  }
0x12: {  	s1 =	sld [smem:$0x3F99];
	s0 =	simm.s32 @p0 $0x1  }
0x13: {  	[smem:$0x3FB4] =	sst s0;
	s0 =	simm.s32 @!p1 $0x0  }
0x14: {  	s2 =	sld [smem:$0x3F98];
	s0 =	simm.s32 @p1 $0x1  }
0x15: {  	[smem:$0x3FB5] =	sst s0;
	s0 =	simm.s32 @!p2 $0x0  }
0x16: {  	s3 =	sld [smem:$0x3FDB];
	s0 =	simm.s32 @p2 $0x1  }
0x17: {  	s4 =	simm.s32 $0x1BF5;
	[smem:$0x3FB7] =	sst s0  }
0x18: {  	s0 =	sld [smem:$0x3F9A];
	_ =	swait.ge [sflag:s4], $0x0  }
0x19: {  	s7 =	sld [smem:$0x3F9B]  }
0x1a: {  	s8 =	sadd.s32 $0xFFFFE003, lr  }
0x1b: {  	s9 =	sadd.s32 $0xFFFFFEF7, lr;
	s5 =	simm.s32 $0xFFFFFFFF;
	p2 =	slt.u32 s8, $0xFFFFF086  }
0x1c: {  	p1 =	slt.u32 s9, $0xF7A;
	s5 =	simm.s32 @!p2 $0x0  }
0x1d: {  	s5 =	simm.s32 @p1 $0x1;
	p0 =	seq.s32 s7, s2  }
0x1e: {  	s7 =	smul.u32 @!p0 $0xF7A, s2;
	p2 =	seq.s32 @!p0 s5, $0x0  }
0x1f: {  	s9 =	smul.u32 $0xF7A, s1;
	s8 =	simm.s32 @!p0 $0x1BF5;
	p2 =	por !p2, p0  }
0x20: {  	[sflag:s8] =	ssyncset.s32 @!p0 $0xFFFFF086;
	s6 =	sadd.s32 @!p0 s3, s7;
	s7 =	simm.s32 @!p0 $0x108  }
0x21: {  	s3 =	sadd.s32 s3, s9;
	s6 =	sadd.s32 @!p0 $0x88, s6;
	s7 =	simm.s32 @p2 $0x1082  }
0x22: {  	[simem:s7], [sflag:s8] =	dma.local @!p0 [hbm:s6], $0xF7A  }
0x23: {  	s9 =	sor.u32 $0xD0000000, s2;
	s6 =	simm.s32 $0x108;
	_ =	swait.ge @!p0 [sflag:s8], $0x0  }
0x24: {  	s3 =	sadd.s32 $0x88, s3;
	s6 =	simm.s32 @!p1 $0x1082;
	[sflag:s4] =	ssyncset.s32 $0xFFFFF086  }
0x25: {  	[simem:s6], [sflag:s4] =	dma.local [hbm:s3], $0xF7A  }
0x26: {  	[smem:$0x3F9B] =	sst s1;
	(tag) =	ssettag s2;
	_ =	strace s9  }
0x27: {  	s1 =	sld [smem:$0x3FAB]  }
0x28: {  	s2 =	sld [smem:$0x3FAC]  }
0x29: {  	s4 =	sld [smem:$0x3FAE]  }
0x2a: {  	p0 =	seq.s32 s5, $0x0;
	s5 =	sld [smem:$0x3FAF]  }
0x2b: {  	s6 =	sld [smem:$0x3FB0]  }
0x2c: {  	s7 =	sld [smem:$0x3FB1]  }
0x2d: {  	s3 =	simm.s32 $0x108;
	s8 =	sld [smem:$0x3FB2]  }
0x2e: {  	s3 =	simm.s32 @!p0 $0x1082;
	s9 =	sld [smem:$0x3FB3]  }
0x2f: {  	lr =	sadd.s32 s0, s3;
	s0 =	sld [smem:$0x3FAA]  }
0x30: {  	s3 =	sld [smem:$0x3FAD]  }
0x31: {  	[smem:$0x3FB6] =	sst s10  }
0x32: {  	s10 =	sld [smem:$0x3FB4];
	_ =	sdelay $0x3  }
0x33: {  	p0 =	seq.s32 s10, $0x1;
	s10 =	sld [smem:$0x3FB6];
	_ =	sdelay $0x3  }
0x34: {  	[smem:$0x3FB6] =	sst s10  }
0x35: {  	s10 =	sld [smem:$0x3FB5];
	_ =	sdelay $0x3  }
0x36: {  	p1 =	seq.s32 s10, $0x1;
	s10 =	sld [smem:$0x3FB6];
	_ =	sdelay $0x3  }
0x37: {  	[smem:$0x3FB6] =	sst s10  }
0x38: {  	s10 =	sld [smem:$0x3FB7]  }
0x39: {  	_ = 	snop;
	(pc) =	sbr.ind lr, $3  }
0x3a: {  	_ = 	snop  }
0x3b: {  	_ = 	snop  }
0x3c: {  	p2 =	seq.s32 s10, $0x1;
	s10 =	sld [smem:$0x3FB6]  }
0x3d: {  	_ =	shalt  }
0x3e: {  	_ =	shalt  }
0x3f: {  	_ =	shalt  }
0x40: {  	_ =	shalt  }
0x41: {  	_ =	shalt  }
0x42: {  	_ =	shalt  }
0x43: {  	_ =	shalt  }
0x44: {  	_ =	shalt  }
0x45: {  	_ =	shalt  }
0x46: {  	_ =	shalt  }
0x47: {  	_ =	shalt  }
0x48: {  	_ =	shalt  }
0x49: {  	_ =	shalt  }
0x4a: {  	_ =	shalt  }
0x4b: {  	_ =	shalt  }
0x4c: {  	_ =	shalt  }
0x4d: {  	_ =	shalt  }
0x4e: {  	_ =	shalt  }
0x4f: {  	_ =	shalt  }
0x50: {  	_ =	shalt  }
0x51: {  	_ =	shalt  }
0x52: {  	_ =	shalt  }
0x53: {  	_ =	shalt  }
0x54: {  	_ =	shalt  }
0x55: {  	_ =	shalt  }
0x56: {  	_ =	shalt  }
0x57: {  	_ =	shalt  }
0x58: {  	_ =	shalt  }
0x59: {  	_ =	shalt  }
0x5a: {  	_ =	shalt  }
0x5b: {  	_ =	shalt  }
0x5c: {  	_ =	shalt  }
0x5d: {  	_ =	shalt  }
0x5e: {  	_ =	shalt  }
0x5f: {  	_ =	shalt  }
0x60: {  	_ =	shalt  }
0x61: {  	_ =	shalt  }
0x62: {  	_ =	shalt  }
0x63: {  	_ =	shalt  }
0x64: {  	_ =	shalt  }
0x65: {  	_ =	shalt  }
0x66: {  	_ =	shalt  }
0x67: {  	_ =	shalt  }
0x68: {  	_ =	shalt  }
0x69: {  	_ =	shalt  }
0x6a: {  	_ =	shalt  }
0x6b: {  	_ =	shalt  }
0x6c: {  	_ =	shalt  }
0x6d: {  	_ =	shalt  }
0x6e: {  	_ =	shalt  }
0x6f: {  	_ =	shalt  }
0x70: {  	_ =	shalt  }
0x71: {  	_ =	shalt  }
0x72: {  	_ =	shalt  }
0x73: {  	_ =	shalt  }
0x74: {  	_ =	shalt  }
0x75: {  	_ =	shalt  }
0x76: {  	_ =	shalt  }
0x77: {  	_ =	shalt  }
0x78: {  	_ =	shalt  }
0x79: {  	_ =	shalt  }
0x7a: {  	_ =	shalt  }
0x7b: {  	_ =	shalt  }
0x7c: {  	_ =	shalt  }
0x7d: {  	_ =	shalt  }
0x7e: {  	_ =	shalt  }
0x7f: {  	_ =	shalt  }
0x80: {  	_ =	shalt  }
0x81: {  	_ =	shalt  }
0x82: {  	_ =	shalt  }
0x83: {  	_ =	shalt  }
0x84: {  	_ =	shalt  }
0x85: {  	_ =	shalt  }
0x86: {  	_ =	shalt  }
0x87: {  	_ =	shalt  }
.Lfunc_end0:
.L_simem_size_0:
called_computation.2_lowered:
.L_overlay_start_0:
0x88: {  	s2 =	sld [smem:$0x3FD9]  }
0x89: {  	s3 =	sld [smem:$0x3FFE];
	_ =	sdelay $0x1  }
0x8a: {  	s1 =	srdreg.scid  }
0x8b: {  	s0 =	sand.u32 $0x1, s1  }
0x8c: {  	s17 =	sshll.u32 s0, $0xA;
	s2 =	sadd.s32 s3, s2  }
0x8d: {  	s2 =	sadd.s32 s2, s17  }
0x8e: {  	[smem:$0x3FC2] =	sst s2  }
0x8f: {  	_ = 	snop  }
0x90: {  	s2 =	sld [smem:$0x3FD0];
	(tm) =	ssettm $0x1  }
0x91: {  	s18 =	sld [smem:$0x3FFB];
	_ =	sdelay $0x3  }
0x92: {  	_ =	strace s18  }
0x93: {  	s3 =	sld [smem:$0x3FFC];
	_ =	sdelay $0x3  }
0x94: {  	_ =	strace s3  }
0x95: {  	s3 =	sld [smem:$0x3FFD];
	_ =	sdelay $0x3  }
0x96: {  	_ =	strace s3  }
0x97: {  	_ =	strace $0x8FFFFFFF  }
0x98: {  	s19 =	sld [smem:$0x3FDB];
	_ =	sdelay $0x1  }
0x99: {  	s4 =	simm.s32 $_scs_section_size  }
0x9a: {  	s5 =	simm.s32 $_size__tile_overlayer_lowered;
	s6 =	simm.s32 $_tile_overlayer_lowered  }
0x9b: {  	s22 =	simm.s32 $0x1BFF;
	s21 =	sshll.u32 s6, $0x1;
	s3 =	sadd.s32 s4, s19  }
0x9c: {  	s7 =	simm.s32 $0x0;
	s20 =	sshll.u32 s5, $0x1;
	s5 =	sadd.s32 s21, s3  }
0x9d: {  	[timem:s7], [sflag:s22] =	dma.local [hbm:s5], s20  }
0x9e: {  	_ =	swait.ge [sflag:s22], s20  }
0x9f: {  	s4 =	ssub.s32 $0x0, s20;
	[sflag:s22] =	ssyncset.done $0x0  }
0xa0: {  	[sflag:s22] =	ssyncadd.s32 s4;
	_ =	sdelay $0x1  }
0xa1: {  	s23 =	simm.s32 $0x1B8B  }
0xa2: {  	_ =	swait.ge [sflag:s23], $0x1  }
0xa3: {  	[sflag:s23] =	ssyncset.done $0x0  }
0xa4: {  	s25 =	simm.s32 $0x1B8E;
	s24 =	sld [smem:$0x3FFE];
	[sflag:s23] =	ssyncadd.s32 $0xFFFFFFFF  }
0xa5: {  	s26 =	simm.s32 $execute0_lowered;
	[smem:$0x3FD2] =	sst s25  }
0xa6: {  	s5 =	sshll.u32 s26, $0x1;
	_ =	strace $0x8000004C;
	[dreg:$0x1] =	wrdreg $0xFFFFFFFF  }
0xa7: {  	s28 =	simm.s32 $_size_execute0_lowered;
	s3 =	sadd.s32 s3, s5;
	[dreg:$0x0] =	wrdreg $0x0  }
0xa8: {  	s5 =	sshll.u32 s28, $0x1;
	[dreg:$0x2] =	wrdreg s3  }
0xa9: {  	[dreg:$0x3] =	wrdreg s5  }
0xaa: {  	[dreg:$0x4] =	wrdreg $0xC0  }
0xab: {  	_ =	task [dreg:s7], $0x5FFFF  }
0xac: {  	[dreg:$0x1] =	wrdreg $0xFFFFFFFF  }
0xad: {  	[dreg:$0x0] =	wrdreg $0x60  }
0xae: {  	[dreg:$0x2] =	wrdreg s24  }
0xaf: {  	[dreg:$0x3] =	wrdreg s2  }
0xb0: {  	[dreg:$0x4] =	wrdreg $0x29000  }
0xb1: {  	[dreg:$0x5] =	wrdreg $0x9  }
0xb2: {  	_ =	task.clear_ibuf [dreg:s7], $0x6FFFF;
	_ =	strace $0x9000004C  }
0xb3: {  	s29 =	simm.s32 $0x9;
	_ =	strace $0x8000004E  }
0xb4: {  	_ =	swait.ge [sflag:s29], $0x1  }
0xb5: {  	[sflag:s29] =	ssyncadd.s32 $0xFFFFFFFF  }
0xb6: {  	_ =	strace $0x9000004E  }
0xb7: {  	_ =	sfence  }
0xb8: {  	s30 =	sld [smem:$0x0];
	_ =	sdelay $0x2  }
0xb9: {  	s31 =	sshll.u32 s1, $0xD;
	s1 =	sshrl.u32 s1, $0x2  }
0xba: {  	s3 =	sand.u32 $0x4000, s31;
	s1 =	sadd.s32 s1, s30  }
0xbb: {  	s0 =	sor.u32 s3, s0;
	s1 =	sshll.u32 s1, $0x11  }
0xbc: {  	s0 =	sor.u32 s1, s0  }
0xbd: {  	s0 =	sadd.s32 $0x8F2B, s0  }
0xbe: {  	[sflag:s0] =	ssyncadd.remote.s32 $0x1  }
0xbf: {  	_ =	sfence.sel $0xFFFF  }
0xc0: {  	[dreg:$0x0] =	wrdreg $0xFFFFFFFF;
	(pc) =	sbr.abs _section_cstart, $3  }
0xc1: {  	[dreg:$0x1] =	wrdreg $0xFFFFFFFF  }
0xc2: {  	_ =	task.clear_ibuf [dreg:s7], $0x2FFFF;
	_ =	strace $0x9FFFFFFF  }
0xc3: {  	(tm) =	ssettm $0x7FFFFFFF  }
tec
execute0_lowered:
.L_overlay_start_1:
0x0: {  	(tag) =	ssettag $0x1  }
0x1: {  	s5 =	rddreg [dreg:$0x0]  }
0x2: {  	s1 =	srdreg.scid;
	s15 =	rddreg [dreg:$0x1]  }
0x3: {  	s0 =	stileid.u32;
	s2 =	rddreg [dreg:$0x2]  }
0x4: {  	s3 =	simm.s32 $0x0;
	s18 =	simm.s32 $0x2;
	s4 =	smul.u32 $0x4E20, s0  }
0x5: {  	s19 =	simm.s32 $0x80;
	s20 =	simm.s32 $0x50;
	s29 =	smul.u32 $0x14000, s0  }
0x6: {  	s21 =	simm.s32 $0x1;
	s6 =	sand.u32 $0x1, s1;
	s9 =	smul.u32 $0x50000, s0  }
0x7: {  	s22 =	simm.s32 $0x0;
	s1 =	rddreg [dreg:$0x3];
	s7 =	smul.u32 $0x2710, s6  }
0x8: {  	[smem:$0x7FF] =	sst s3;
	s8 =	smul.u32 $0x140000, s6;
	s6 =	ssub.s32 $0x2, s6  }
0x9: {  	_ =	strace $0x8000004D;
	s30 =	sshrl.u32 s9, $0x2;
	s31 =	sshrl.u32 s6, $0x1  }
0xa: {  	s4 =	sadd.s32 s7, s4;
	s7 =	sadd.s32 s29, s8;
	s14 =	ssub.s32 s6, s31  }
0xb: {  	s16 =	sshrl.u32 s4, $0x3;
	s4 =	sadd.s32 $0xB800, s5;
	s7 =	sshrl.u32 s7, $0x3  }
0xc: {  	s17 =	sadd.s32 s16, s5;
	s13 =	sadd.s32 s7, s5;
	s5 =	sadd.s32 s30, s2  }
0xd: {  	s14 =	smax.u32 s14, $0x1;
	s15 =	sadd.s32 s16, s15;
	s6 =	sadd.s32 $0x2800, s5  }
0xe: {  	s7 =	sadd.s32 $0x5000, s5;
	s8 =	sadd.s32 $0x7800, s5;
	s9 =	sadd.s32 $0xA000, s5  }
0xf: {  	s10 =	sadd.s32 $0xC800, s5;
	s11 =	sadd.s32 $0xF000, s5;
	s12 =	sadd.s32 $0x11800, s5  }
0x10: {  	v0 =	vimm.f32 $0.0e+00;
	s13 =	sadd.s32 $0x33800, s13;
	s16 =	sadd.s32 $0x1A00, s17;
	s17 =	simm.s32 $0x100  }
.LBB2_1:
0x11: {  	s23 =	simm.s32 $0x0;
	s24 =	simm.s32 $0x200  }
.LBB2_2:
0x12: {  	p0 =	sne.s32 s24, $0x9E00;
	[tilespmem:s23+$0x170] =	vst v0  }
0x13: {  	[tilespmem:s23+$0x100] =	vst v0  }
0x14: {  	[tilespmem:s23+$0x110] =	vst v0  }
.Ltmp0:
0x15: {  	[tilespmem:s23+$0x120] =	vst v0;
	(pc) =	sbr.rel @p0 .LBB2_2-.Ltmp0, $4  }
0x16: {  	[tilespmem:s23+$0x130] =	vst v0  }
0x17: {  	[tilespmem:s23+$0x140] =	vst v0  }
0x18: {  	[tilespmem:s23+$0x150] =	vst v0  }
0x19: {  	[tilespmem:s23+$0x160] =	vst v0;
	s23 =	sshra.s32 s24, $0x2;
	s24 =	sadd.s32 $0x200, s24  }
0x1a: {  	[tilespmem:s23+$0x170] =	vst v0  }
0x1b: {  	[tilespmem:s23+$0x100] =	vst v0  }
0x1c: {  	[tilespmem:s23+$0x110] =	vst v0  }
0x1d: {  	[tilespmem:s23+$0x120] =	vst v0  }
0x1e: {  	[tilespmem:s23+$0x130] =	vst v0  }
0x1f: {  	[tilespmem:s23+$0x140] =	vst v0  }
0x20: {  	[tilespmem:s23+$0x150] =	vst v0  }
0x21: {  	[tilespmem:s23+$0x160] =	vst v0  }
0x22: {  	[spmem:s5] =	stream.linear.scatter [tilespmem:s17], [sflag:$0x2], $0x2800, $0x38;
	[tilespmem:$0x16900] =	vst v63  }
0x23: {  	_ =	swait.ge [sflag:s18], $0x2800  }
0x24: {  	[sflag:s18] =	ssyncset.done $0x0  }
0x25: {  	[sflag:s18] =	ssyncadd.s32 $0xFFFFD800  }
0x26: {  	[spmem:s6] =	stream.linear.scatter [tilespmem:s17], [sflag:$0x2], $0x2800, $0x38;
	[tilespmem:$0x16900] =	vst v63  }
0x27: {  	_ =	swait.ge [sflag:s18], $0x2800  }
0x28: {  	[sflag:s18] =	ssyncset.done $0x0  }
0x29: {  	[sflag:s18] =	ssyncadd.s32 $0xFFFFD800  }
0x2a: {  	[spmem:s7] =	stream.linear.scatter [tilespmem:s17], [sflag:$0x2], $0x2800, $0x38;
	[tilespmem:$0x16900] =	vst v63  }
0x2b: {  	_ =	swait.ge [sflag:s18], $0x2800  }
0x2c: {  	[sflag:s18] =	ssyncset.done $0x0  }
0x2d: {  	[sflag:s18] =	ssyncadd.s32 $0xFFFFD800  }
0x2e: {  	[spmem:s8] =	stream.linear.scatter [tilespmem:s17], [sflag:$0x2], $0x2800, $0x38;
	[tilespmem:$0x16900] =	vst v63  }
0x2f: {  	_ =	swait.ge [sflag:s18], $0x2800  }
0x30: {  	[sflag:s18] =	ssyncset.done $0x0  }
0x31: {  	[sflag:s18] =	ssyncadd.s32 $0xFFFFD800  }
0x32: {  	[spmem:s9] =	stream.linear.scatter [tilespmem:s17], [sflag:$0x2], $0x2800, $0x38;
	[tilespmem:$0x16900] =	vst v63  }
0x33: {  	_ =	swait.ge [sflag:s18], $0x2800  }
0x34: {  	[sflag:s18] =	ssyncset.done $0x0  }
0x35: {  	[sflag:s18] =	ssyncadd.s32 $0xFFFFD800  }
0x36: {  	[spmem:s10] =	stream.linear.scatter [tilespmem:s17], [sflag:$0x2], $0x2800, $0x38;
	[tilespmem:$0x16900] =	vst v63  }
0x37: {  	_ =	swait.ge [sflag:s18], $0x2800  }
0x38: {  	[sflag:s18] =	ssyncset.done $0x0  }
0x39: {  	[sflag:s18] =	ssyncadd.s32 $0xFFFFD800  }
0x3a: {  	[spmem:s11] =	stream.linear.scatter [tilespmem:s17], [sflag:$0x2], $0x2800, $0x38;
	[tilespmem:$0x16900] =	vst v63  }
0x3b: {  	_ =	swait.ge [sflag:s18], $0x2800  }
0x3c: {  	[sflag:s18] =	ssyncset.done $0x0  }
0x3d: {  	[sflag:s18] =	ssyncadd.s32 $0xFFFFD800  }
0x3e: {  	[spmem:s12] =	stream.linear.scatter [tilespmem:s17], [sflag:$0x2], $0x2800, $0x38;
	[tilespmem:$0x16900] =	vst v63  }
0x3f: {  	_ =	swait.ge [sflag:s18], $0x2800  }
0x40: {  	[sflag:s18] =	ssyncset.done $0x0  }
0x41: {  	[sflag:s18] =	ssyncadd.s32 $0xFFFFD800  }
0x42: {  	s30 =	sadd.s32 $0x0, s16;
	[bflag:$0x0] =	sbarrier.arrive $0xFFFF  }
0x43: {  	[tilespmem:s3], [sflag:$0x2] =	stream.linear.gather [hbm4b:s30+s3], $0x50, $0x38;
	[tilespmem:$0x16900] =	vst v63  }
0x44: {  	_ =	swait.ge [sflag:s18], $0x50  }
0x45: {  	[sflag:s18] =	ssyncset.done $0x0  }
0x46: {  	s31 =	sadd.s32 $0x0, s15;
	[sflag:s18] =	ssyncadd.s32 $0xFFFFFFB0  }
0x47: {  	[tilespmem:s19], [sflag:$0x2] =	stream.linear.gather [hbm4b:s31+s3], $0x50, $0x38;
	[tilespmem:$0x16900] =	vst v63  }
0x48: {  	_ =	swait.ge [sflag:s18], $0x50  }
0x49: {  	[sflag:s18] =	ssyncset.done $0x0  }
0x4a: {  	[sflag:s18] =	ssyncadd.s32 $0xFFFFFFB0  }
0x4b: {  	[tilespmem:s17], [sflag:$0x1] =	stream.indirect.gather [hbm4b:s4+s20], $0x80, s3, s20, $0xb8;
	[tilespmem:$0x16900] =	vst v63  }
0x4c: {  	_ =	swait.ge [sflag:s21], $0x2800  }
0x4d: {  	[sflag:s21] =	ssyncset.done $0x0  }
0x4e: {  	[sflag:s21] =	ssyncadd.s32 $0xFFFFD800  }
0x4f: {  	[spmem:s2] =	stream.indirect.scatter.add.f32 [tilespmem:s17], [sflag:$0x2], $0x80, s19, s20, $0xb8;
	[tilespmem:$0x16900] =	vst v63  }
0x50: {  	_ =	swait.ge [sflag:s18], $0x2800  }
0x51: {  	s23 =	simm.s32 $0xA;
	s24 =	simm.s32 $0x14;
	[sflag:s18] =	ssyncset.done $0x0  }
.LBB2_4:
0x52: {  	s25 =	sadd.s32 s23, s16  }
0x53: {  	[sflag:s18] =	ssyncadd.s32 $0xFFFFD800;
	s26 =	smov.u32 s24;
	s28 =	sadd.s32 $0xA, s24  }
0x54: {  	[tilespmem:s3], [sflag:$0x2] =	stream.linear.gather [hbm4b:s25+s3], $0x50, $0x38;
	[tilespmem:$0x16900] =	vst v63  }
0x55: {  	p0 =	sne.s32 s24, $0x4D8;
	_ =	swait.ge [sflag:s18], $0x50  }
0x56: {  	[sflag:s18] =	ssyncset.done $0x0  }
0x57: {  	s24 =	sadd.s32 s23, s15;
	s23 =	smov.u32 s26;
	[sflag:s18] =	ssyncadd.s32 $0xFFFFFFB0  }
0x58: {  	[tilespmem:s19], [sflag:$0x2] =	stream.linear.gather [hbm4b:s24+s3], $0x50, $0x38;
	[tilespmem:$0x16900] =	vst v63  }
0x59: {  	_ =	swait.ge [sflag:s18], $0x50  }
0x5a: {  	[sflag:s18] =	ssyncset.done $0x0  }
0x5b: {  	[sflag:s18] =	ssyncadd.s32 $0xFFFFFFB0  }
0x5c: {  	[tilespmem:s17], [sflag:$0x1] =	stream.indirect.gather [hbm4b:s4+s20], $0x80, s3, s20, $0xb8;
	[tilespmem:$0x16900] =	vst v63  }
0x5d: {  	_ =	swait.ge [sflag:s21], $0x2800  }
.Ltmp1:
0x5e: {  	[sflag:s21] =	ssyncset.done $0x0;
	(pc) =	sbr.rel @p0 .LBB2_4-.Ltmp1, $4  }
0x5f: {  	[sflag:s21] =	ssyncadd.s32 $0xFFFFD800  }
0x60: {  	[spmem:s2] =	stream.indirect.scatter.add.f32 [tilespmem:s17], [sflag:$0x2], $0x80, s19, s20, $0xb8;
	[tilespmem:$0x16900] =	vst v63  }
0x61: {  	_ =	swait.ge [sflag:s18], $0x2800  }
0x62: {  	s24 =	smov.u32 s28;
	[sflag:s18] =	ssyncset.done $0x0  }
0x63: {  	s24 =	sadd.s32 s23, s16;
	[sflag:s18] =	ssyncadd.s32 $0xFFFFD800  }
0x64: {  	[tilespmem:s3], [sflag:$0x2] =	stream.linear.gather [hbm4b:s24+s3], $0x50, $0x38;
	[tilespmem:$0x16900] =	vst v63  }
0x65: {  	_ =	swait.ge [sflag:s18], $0x50  }
0x66: {  	[sflag:s18] =	ssyncset.done $0x0  }
0x67: {  	s29 =	sadd.s32 s23, s15;
	[sflag:s18] =	ssyncadd.s32 $0xFFFFFFB0  }
0x68: {  	[tilespmem:s19], [sflag:$0x2] =	stream.linear.gather [hbm4b:s29+s3], $0x50, $0x38;
	[tilespmem:$0x16900] =	vst v63  }
0x69: {  	_ =	swait.ge [sflag:s18], $0x50  }
0x6a: {  	[sflag:s18] =	ssyncset.done $0x0  }
0x6b: {  	[sflag:s18] =	ssyncadd.s32 $0xFFFFFFB0  }
0x6c: {  	[tilespmem:s17], [sflag:$0x1] =	stream.indirect.gather [hbm4b:s4+s20], $0x80, s3, s20, $0xb8;
	[tilespmem:$0x16900] =	vst v63  }
0x6d: {  	_ =	swait.ge [sflag:s21], $0x2800  }
0x6e: {  	[sflag:s21] =	ssyncset.done $0x0  }
0x6f: {  	[sflag:s21] =	ssyncadd.s32 $0xFFFFD800  }
0x70: {  	[spmem:s2] =	stream.indirect.scatter.add.f32 [tilespmem:s17], [sflag:$0x2], $0x80, s19, s20, $0xb8;
	[tilespmem:$0x16900] =	vst v63  }
0x71: {  	_ =	swait.ge [sflag:s18], $0x2800  }
0x72: {  	s30 =	sshll.u32 s0, $0x6;
	s22 =	sadd.s32 $0x1, s22;
	[sflag:s18] =	ssyncset.done $0x0  }
0x73: {  	s31 =	sshrl.u32 s5, $0x3;
	p0 =	sne.s32 s22, s14;
	[sflag:s18] =	ssyncadd.s32 $0xFFFFD800  }
.Ltmp2:
0x74: {  	s23 =	sor.u32 $0x1C02, s30;
	[bflag:$0x0] =	sbarrier.arrive $0xFFFF;
	(pc) =	sbr.rel @p0 .LBB2_1-.Ltmp2, $4  }
0x75: {  	[hbm:s13], [sflag:s23] =	dma.local [spmem:s31], $0x2800  }
0x76: {  	_ =	swait.ge [sflag:s18], $0x2800  }
0x77: {  	[sflag:s18] =	ssyncset.done $0x0  }
0x78: {  	[sflag:s18] =	ssyncadd.s32 $0xFFFFD800  }
0x79: {  	_ =	sfence.sel $0x180000  }
0x7a: {  	[bflag:$0x0] =	sbarrier.arrive $0xFFFF  }
0x7b: {  	p0 =	sne.s32 s0, $0x0;
	_ =	strace $0x9000004D  }
0x7c: {  	s0 =	sadd.s32 @!p0 $0x100000, s1;
	[bflag:$0x2] =	sbarrier.arrive $0xFFFF  }
0x7d: {  	[sflag:s0] =	ssyncadd.tile.s32 @!p0 $0x1;
	_ =	shalt  }
.Lfunc_end2:
_tile_overlayer_lowered:
.L_overlay_start_2:
0x7e: {  	(tag) =	ssettag $0x2  }
0x7f: {  	s0 =	rddreg [dreg:$0x0];
	s2 =	stileid.u32  }
0x80: {  	s1 =	rddreg [dreg:$0x1];
	p0 =	sne.s32 s2, $0x0  }
0x81: {  	s3 =	rddreg [dreg:$0x2];
	[bflag:$0x3] =	sbarrier.arrive $0xFFFF;
	s2 =	simm.s32 @!p0 $0x1C02  }
0x82: {  	[timem:s3], [sflag:s2] =	dma.local @!p0 [hbm:s0], s1  }
0x83: {  	s0 =	simm.s32 @!p0 $0x2  }
0x84: {  	_ =	swait.ge @!p0 [sflag:s0], s1  }
0x85: {  	s1 =	ssub.s32 @!p0 $0x0, s1;
	[sflag:s0] =	ssyncset.done @!p0 $0x0  }
0x86: {  	[sflag:s0] =	ssyncadd.s32 @!p0 s1  }
0x87: {  	[bflag:$0x3] =	sbarrier.arrive $0xFFFF  }
0x88: {  	_ =	shalt  }

// kernel: kernel.8.cloned.1.call-start
scs
__scs_entry_jumppad:
0x0: {  	(pc) =	sbr.rel $0x88, $3  }
0x1: {  	(tag) =	ssettag $0x0;
	lr =	simm.s32 $0x1  }
0x2: {  	[smem:$0x3F9B] =	sst lr;
	_ =	strace $0xD0000000  }
0x3: {  	_ = 	snop  }
0x4: {  	_ = 	snop  }
0x5: {  	_ = 	snop  }
0x6: {  	_ = 	snop  }
0x7: {  	_ = 	snop  }
__scs_overlays_trampoline_lowered:
0x8: {  	[smem:$0x3FAA] =	sst s0  }
0x9: {  	[smem:$0x3FAB] =	sst s1  }
0xa: {  	[smem:$0x3FAC] =	sst s2  }
0xb: {  	[smem:$0x3FAD] =	sst s3  }
0xc: {  	[smem:$0x3FAE] =	sst s4  }
0xd: {  	[smem:$0x3FAF] =	sst s5  }
0xe: {  	[smem:$0x3FB0] =	sst s6  }
0xf: {  	[smem:$0x3FB1] =	sst s7  }
0x10: {  	[smem:$0x3FB2] =	sst s8  }
0x11: {  	[smem:$0x3FB3] =	sst s9;
	s0 =	simm.s32 @!p0 $0x0  }
0x12: {  	s1 =	sld [smem:$0x3F99];
	s0 =	simm.s32 @p0 $0x1  }
0x13: {  	[smem:$0x3FB4] =	sst s0;
	s0 =	simm.s32 @!p1 $0x0  }
0x14: {  	s2 =	sld [smem:$0x3F98];
	s0 =	simm.s32 @p1 $0x1  }
0x15: {  	[smem:$0x3FB5] =	sst s0;
	s0 =	simm.s32 @!p2 $0x0  }
0x16: {  	s3 =	sld [smem:$0x3FDB];
	s0 =	simm.s32 @p2 $0x1  }
0x17: {  	s4 =	simm.s32 $0x1BF5;
	[smem:$0x3FB7] =	sst s0  }
0x18: {  	s0 =	sld [smem:$0x3F9A];
	_ =	swait.ge [sflag:s4], $0x0  }
0x19: {  	s7 =	sld [smem:$0x3F9B]  }
0x1a: {  	s8 =	sadd.s32 $0xFFFFE003, lr  }
0x1b: {  	s9 =	sadd.s32 $0xFFFFFEF7, lr;
	s5 =	simm.s32 $0xFFFFFFFF;
	p2 =	slt.u32 s8, $0xFFFFF086  }
0x1c: {  	p1 =	slt.u32 s9, $0xF7A;
	s5 =	simm.s32 @!p2 $0x0  }
0x1d: {  	s5 =	simm.s32 @p1 $0x1;
	p0 =	seq.s32 s7, s2  }
0x1e: {  	s7 =	smul.u32 @!p0 $0xF7A, s2;
	p2 =	seq.s32 @!p0 s5, $0x0  }
0x1f: {  	s9 =	smul.u32 $0xF7A, s1;
	s8 =	simm.s32 @!p0 $0x1BF5;
	p2 =	por !p2, p0  }
0x20: {  	[sflag:s8] =	ssyncset.s32 @!p0 $0xFFFFF086;
	s6 =	sadd.s32 @!p0 s3, s7;
	s7 =	simm.s32 @!p0 $0x108  }
0x21: {  	s3 =	sadd.s32 s3, s9;
	s6 =	sadd.s32 @!p0 $0x88, s6;
	s7 =	simm.s32 @p2 $0x1082  }
0x22: {  	[simem:s7], [sflag:s8] =	dma.local @!p0 [hbm:s6], $0xF7A  }
0x23: {  	s9 =	sor.u32 $0xD0000000, s2;
	s6 =	simm.s32 $0x108;
	_ =	swait.ge @!p0 [sflag:s8], $0x0  }
0x24: {  	s3 =	sadd.s32 $0x88, s3;
	s6 =	simm.s32 @!p1 $0x1082;
	[sflag:s4] =	ssyncset.s32 $0xFFFFF086  }
0x25: {  	[simem:s6], [sflag:s4] =	dma.local [hbm:s3], $0xF7A  }
0x26: {  	[smem:$0x3F9B] =	sst s1;
	(tag) =	ssettag s2;
	_ =	strace s9  }
0x27: {  	s1 =	sld [smem:$0x3FAB]  }
0x28: {  	s2 =	sld [smem:$0x3FAC]  }
0x29: {  	s4 =	sld [smem:$0x3FAE]  }
0x2a: {  	p0 =	seq.s32 s5, $0x0;
	s5 =	sld [smem:$0x3FAF]  }
0x2b: {  	s6 =	sld [smem:$0x3FB0]  }
0x2c: {  	s7 =	sld [smem:$0x3FB1]  }
0x2d: {  	s3 =	simm.s32 $0x108;
	s8 =	sld [smem:$0x3FB2]  }
0x2e: {  	s3 =	simm.s32 @!p0 $0x1082;
	s9 =	sld [smem:$0x3FB3]  }
0x2f: {  	lr =	sadd.s32 s0, s3;
	s0 =	sld [smem:$0x3FAA]  }
0x30: {  	s3 =	sld [smem:$0x3FAD]  }
0x31: {  	[smem:$0x3FB6] =	sst s10  }
0x32: {  	s10 =	sld [smem:$0x3FB4];
	_ =	sdelay $0x3  }
0x33: {  	p0 =	seq.s32 s10, $0x1;
	s10 =	sld [smem:$0x3FB6];
	_ =	sdelay $0x3  }
0x34: {  	[smem:$0x3FB6] =	sst s10  }
0x35: {  	s10 =	sld [smem:$0x3FB5];
	_ =	sdelay $0x3  }
0x36: {  	p1 =	seq.s32 s10, $0x1;
	s10 =	sld [smem:$0x3FB6];
	_ =	sdelay $0x3  }
0x37: {  	[smem:$0x3FB6] =	sst s10  }
0x38: {  	s10 =	sld [smem:$0x3FB7]  }
0x39: {  	_ = 	snop;
	(pc) =	sbr.ind lr, $3  }
0x3a: {  	_ = 	snop  }
0x3b: {  	_ = 	snop  }
0x3c: {  	p2 =	seq.s32 s10, $0x1;
	s10 =	sld [smem:$0x3FB6]  }
0x3d: {  	_ =	shalt  }
0x3e: {  	_ =	shalt  }
0x3f: {  	_ =	shalt  }
0x40: {  	_ =	shalt  }
0x41: {  	_ =	shalt  }
0x42: {  	_ =	shalt  }
0x43: {  	_ =	shalt  }
0x44: {  	_ =	shalt  }
0x45: {  	_ =	shalt  }
0x46: {  	_ =	shalt  }
0x47: {  	_ =	shalt  }
0x48: {  	_ =	shalt  }
0x49: {  	_ =	shalt  }
0x4a: {  	_ =	shalt  }
0x4b: {  	_ =	shalt  }
0x4c: {  	_ =	shalt  }
0x4d: {  	_ =	shalt  }
0x4e: {  	_ =	shalt  }
0x4f: {  	_ =	shalt  }
0x50: {  	_ =	shalt  }
0x51: {  	_ =	shalt  }
0x52: {  	_ =	shalt  }
0x53: {  	_ =	shalt  }
0x54: {  	_ =	shalt  }
0x55: {  	_ =	shalt  }
0x56: {  	_ =	shalt  }
0x57: {  	_ =	shalt  }
0x58: {  	_ =	shalt  }
0x59: {  	_ =	shalt  }
0x5a: {  	_ =	shalt  }
0x5b: {  	_ =	shalt  }
0x5c: {  	_ =	shalt  }
0x5d: {  	_ =	shalt  }
0x5e: {  	_ =	shalt  }
0x5f: {  	_ =	shalt  }
0x60: {  	_ =	shalt  }
0x61: {  	_ =	shalt  }
0x62: {  	_ =	shalt  }
0x63: {  	_ =	shalt  }
0x64: {  	_ =	shalt  }
0x65: {  	_ =	shalt  }
0x66: {  	_ =	shalt  }
0x67: {  	_ =	shalt  }
0x68: {  	_ =	shalt  }
0x69: {  	_ =	shalt  }
0x6a: {  	_ =	shalt  }
0x6b: {  	_ =	shalt  }
0x6c: {  	_ =	shalt  }
0x6d: {  	_ =	shalt  }
0x6e: {  	_ =	shalt  }
0x6f: {  	_ =	shalt  }
0x70: {  	_ =	shalt  }
0x71: {  	_ =	shalt  }
0x72: {  	_ =	shalt  }
0x73: {  	_ =	shalt  }
0x74: {  	_ =	shalt  }
0x75: {  	_ =	shalt  }
0x76: {  	_ =	shalt  }
0x77: {  	_ =	shalt  }
0x78: {  	_ =	shalt  }
0x79: {  	_ =	shalt  }
0x7a: {  	_ =	shalt  }
0x7b: {  	_ =	shalt  }
0x7c: {  	_ =	shalt  }
0x7d: {  	_ =	shalt  }
0x7e: {  	_ =	shalt  }
0x7f: {  	_ =	shalt  }
0x80: {  	_ =	shalt  }
0x81: {  	_ =	shalt  }
0x82: {  	_ =	shalt  }
0x83: {  	_ =	shalt  }
0x84: {  	_ =	shalt  }
0x85: {  	_ =	shalt  }
0x86: {  	_ =	shalt  }
0x87: {  	_ =	shalt  }
.Lfunc_end0:
.L_simem_size_0:
called_computation_lowered:
.L_overlay_start_0:
0x88: {  	s2 =	sld [smem:$0x3FD9]  }
0x89: {  	s3 =	sld [smem:$0x3FFE];
	_ =	sdelay $0x1  }
0x8a: {  	s1 =	srdreg.scid  }
0x8b: {  	s0 =	sand.u32 $0x1, s1  }
0x8c: {  	s17 =	sshll.u32 s0, $0xA;
	s2 =	sadd.s32 s3, s2  }
0x8d: {  	s2 =	sadd.s32 s2, s17  }
0x8e: {  	[smem:$0x3FC2] =	sst s2  }
0x8f: {  	_ = 	snop  }
0x90: {  	s2 =	sld [smem:$0x3FD0];
	(tm) =	ssettm $0x1  }
0x91: {  	s18 =	sld [smem:$0x3FFB];
	_ =	sdelay $0x3  }
0x92: {  	_ =	strace s18  }
0x93: {  	s3 =	sld [smem:$0x3FFC];
	_ =	sdelay $0x3  }
0x94: {  	_ =	strace s3  }
0x95: {  	s3 =	sld [smem:$0x3FFD];
	_ =	sdelay $0x3  }
0x96: {  	_ =	strace s3  }
0x97: {  	_ =	strace $0x8FFFFFFF  }
0x98: {  	s19 =	sld [smem:$0x3FDB];
	_ =	sdelay $0x1  }
0x99: {  	s4 =	simm.s32 $_scs_section_size  }
0x9a: {  	s5 =	simm.s32 $_size__tile_overlayer_lowered;
	s6 =	simm.s32 $_tile_overlayer_lowered  }
0x9b: {  	s22 =	simm.s32 $0x1BFF;
	s21 =	sshll.u32 s6, $0x1;
	s3 =	sadd.s32 s4, s19  }
0x9c: {  	s7 =	simm.s32 $0x0;
	s20 =	sshll.u32 s5, $0x1;
	s5 =	sadd.s32 s21, s3  }
0x9d: {  	[timem:s7], [sflag:s22] =	dma.local [hbm:s5], s20  }
0x9e: {  	_ =	swait.ge [sflag:s22], s20  }
0x9f: {  	s4 =	ssub.s32 $0x0, s20;
	[sflag:s22] =	ssyncset.done $0x0  }
0xa0: {  	[sflag:s22] =	ssyncadd.s32 s4;
	_ =	sdelay $0x1  }
0xa1: {  	s23 =	simm.s32 $0x1B8B  }
0xa2: {  	_ =	swait.ge [sflag:s23], $0x1  }
0xa3: {  	[sflag:s23] =	ssyncset.done $0x0  }
0xa4: {  	s25 =	simm.s32 $0x1B8E;
	s24 =	sld [smem:$0x3FFE];
	[sflag:s23] =	ssyncadd.s32 $0xFFFFFFFF  }
0xa5: {  	s26 =	simm.s32 $execute0_lowered;
	[smem:$0x3FD2] =	sst s25  }
0xa6: {  	s5 =	sshll.u32 s26, $0x1;
	_ =	strace $0x80000046;
	[dreg:$0x1] =	wrdreg $0xFFFFFFFF  }
0xa7: {  	s28 =	simm.s32 $_size_execute0_lowered;
	s3 =	sadd.s32 s3, s5;
	[dreg:$0x0] =	wrdreg $0x0  }
0xa8: {  	s5 =	sshll.u32 s28, $0x1;
	[dreg:$0x2] =	wrdreg s3  }
0xa9: {  	[dreg:$0x3] =	wrdreg s5  }
0xaa: {  	[dreg:$0x4] =	wrdreg $0xC0  }
0xab: {  	_ =	task [dreg:s7], $0x5FFFF  }
0xac: {  	[dreg:$0x1] =	wrdreg $0xFFFFFFFF  }
0xad: {  	[dreg:$0x0] =	wrdreg $0x60  }
0xae: {  	[dreg:$0x2] =	wrdreg s24  }
0xaf: {  	[dreg:$0x3] =	wrdreg s2  }
0xb0: {  	[dreg:$0x4] =	wrdreg $0x50800  }
0xb1: {  	[dreg:$0x5] =	wrdreg $0x9  }
0xb2: {  	_ =	task.clear_ibuf [dreg:s7], $0x6FFFF;
	_ =	strace $0x90000046  }
0xb3: {  	s29 =	simm.s32 $0x9;
	_ =	strace $0x80000048  }
0xb4: {  	_ =	swait.ge [sflag:s29], $0x1  }
0xb5: {  	[sflag:s29] =	ssyncadd.s32 $0xFFFFFFFF  }
0xb6: {  	_ =	strace $0x90000048  }
0xb7: {  	_ =	sfence  }
0xb8: {  	s30 =	sld [smem:$0x0];
	_ =	sdelay $0x2  }
0xb9: {  	s31 =	sshll.u32 s1, $0xD;
	s1 =	sshrl.u32 s1, $0x2  }
0xba: {  	s3 =	sand.u32 $0x4000, s31;
	s1 =	sadd.s32 s1, s30  }
0xbb: {  	s0 =	sor.u32 s3, s0;
	s1 =	sshll.u32 s1, $0x11  }
0xbc: {  	s0 =	sor.u32 s1, s0  }
0xbd: {  	s0 =	sadd.s32 $0x8F2B, s0  }
0xbe: {  	[sflag:s0] =	ssyncadd.remote.s32 $0x1  }
0xbf: {  	_ =	sfence.sel $0xFFFF  }
0xc0: {  	[dreg:$0x0] =	wrdreg $0xFFFFFFFF;
	(pc) =	sbr.abs _section_cstart, $3  }
0xc1: {  	[dreg:$0x1] =	wrdreg $0xFFFFFFFF  }
0xc2: {  	_ =	task.clear_ibuf [dreg:s7], $0x2FFFF;
	_ =	strace $0x9FFFFFFF  }
0xc3: {  	(tm) =	ssettm $0x7FFFFFFF  }
tec
execute0_lowered:
.L_overlay_start_1:
0x0: {  	(tag) =	ssettag $0x1  }
0x1: {  	s4 =	rddreg [dreg:$0x0];
	s1 =	srdreg.scid  }
0x2: {  	s0 =	stileid.u32;
	s16 =	rddreg [dreg:$0x1]  }
0x3: {  	s2 =	rddreg [dreg:$0x2];
	s3 =	simm.s32 $0x0;
	s6 =	smul.u32 $0x4E20, s0  }
0x4: {  	s18 =	simm.s32 $0x1;
	s19 =	simm.s32 $0x50;
	s29 =	smul.u32 $0x14000, s0  }
0x5: {  	s20 =	simm.s32 $0x80;
	s5 =	sand.u32 $0x1, s1;
	s30 =	smul.u32 $0x50000, s0  }
0x6: {  	s21 =	simm.s32 $0x0;
	s1 =	rddreg [dreg:$0x3];
	s7 =	smul.u32 $0x2710, s5  }
0x7: {  	[smem:$0x7FF] =	sst s3;
	s8 =	smul.u32 $0x280000, s5;
	s5 =	ssub.s32 $0x2, s5  }
0x8: {  	_ =	strace $0x80000047;
	s31 =	sshrl.u32 s5, $0x1;
	s6 =	sadd.s32 s7, s6  }
0x9: {  	s7 =	sadd.s32 s29, s8;
	s14 =	ssub.s32 s5, s31;
	s17 =	sshrl.u32 s6, $0x3  }
0xa: {  	s7 =	sshrl.u32 s7, $0x3;
	s6 =	sshrl.u32 s30, $0x2;
	s14 =	smax.u32 s14, $0x1  }
0xb: {  	s15 =	sadd.s32 s17, s4;
	s13 =	sadd.s32 s7, s4;
	s4 =	sadd.s32 s6, s2  }
0xc: {  	s16 =	sadd.s32 s17, s16;
	s17 =	simm.s32 $0x2880;
	s5 =	sadd.s32 $0x2800, s4  }
0xd: {  	s6 =	sadd.s32 $0x5000, s4;
	s7 =	sadd.s32 $0x7800, s4;
	s8 =	sadd.s32 $0xA000, s4  }
0xe: {  	s9 =	sadd.s32 $0xC800, s4;
	s10 =	sadd.s32 $0xF000, s4;
	s11 =	sadd.s32 $0x11800, s4  }
0xf: {  	v0 =	vimm.f32 $0.0e+00;
	v1 =	vimm.f32 $1.000000000e+00;
	s12 =	sadd.s32 $0xB800, s13;
	s13 =	sadd.s32 $0x33800, s13;
	s15 =	sadd.s32 $0x1A00, s15  }
.LBB2_1:
0x10: {  	s22 =	simm.s32 $0x0;
	s23 =	simm.s32 $0x200  }
.LBB2_2:
0x11: {  	p0 =	sne.s32 s23, $0x9E00;
	[tilespmem:s22+$0x28F0] =	vst v0  }
0x12: {  	[tilespmem:s22+$0x2880] =	vst v0  }
0x13: {  	[tilespmem:s22+$0x2890] =	vst v0  }
.Ltmp0:
0x14: {  	[tilespmem:s22+$0x28A0] =	vst v0;
	(pc) =	sbr.rel @p0 .LBB2_2-.Ltmp0, $4  }
0x15: {  	[tilespmem:s22+$0x28B0] =	vst v0  }
0x16: {  	[tilespmem:s22+$0x28C0] =	vst v0  }
0x17: {  	[tilespmem:s22+$0x28D0] =	vst v0  }
0x18: {  	[tilespmem:s22+$0x28E0] =	vst v0;
	s22 =	sshra.s32 s23, $0x2;
	s23 =	sadd.s32 $0x200, s23  }
0x19: {  	[tilespmem:s22+$0x28F0] =	vst v0  }
0x1a: {  	[tilespmem:s22+$0x2880] =	vst v0  }
0x1b: {  	[tilespmem:s22+$0x2890] =	vst v0  }
0x1c: {  	[tilespmem:s22+$0x28A0] =	vst v0  }
0x1d: {  	[tilespmem:s22+$0x28B0] =	vst v0  }
0x1e: {  	[tilespmem:s22+$0x28C0] =	vst v0  }
0x1f: {  	[tilespmem:s22+$0x28D0] =	vst v0  }
0x20: {  	[tilespmem:s22+$0x28E0] =	vst v0;
	s22 =	simm.s32 $0x0;
	s23 =	simm.s32 $0x200  }
.LBB2_4:
0x21: {  	p0 =	sne.s32 s23, $0x9E00;
	[tilespmem:s22+$0xF0] =	vst v1  }
0x22: {  	[tilespmem:s22+$0x80] =	vst v1  }
0x23: {  	[tilespmem:s22+$0x90] =	vst v1  }
.Ltmp1:
0x24: {  	[tilespmem:s22+$0xA0] =	vst v1;
	(pc) =	sbr.rel @p0 .LBB2_4-.Ltmp1, $4  }
0x25: {  	[tilespmem:s22+$0xB0] =	vst v1  }
0x26: {  	[tilespmem:s22+$0xC0] =	vst v1  }
0x27: {  	[tilespmem:s22+$0xD0] =	vst v1  }
0x28: {  	[tilespmem:s22+$0xE0] =	vst v1;
	s22 =	sshra.s32 s23, $0x2;
	s23 =	sadd.s32 $0x200, s23  }
0x29: {  	[tilespmem:s22+$0xF0] =	vst v1  }
0x2a: {  	[tilespmem:s22+$0x80] =	vst v1  }
0x2b: {  	[tilespmem:s22+$0x90] =	vst v1  }
0x2c: {  	[tilespmem:s22+$0xA0] =	vst v1  }
0x2d: {  	[tilespmem:s22+$0xB0] =	vst v1  }
0x2e: {  	[tilespmem:s22+$0xC0] =	vst v1  }
0x2f: {  	[tilespmem:s22+$0xD0] =	vst v1  }
0x30: {  	[tilespmem:s22+$0xE0] =	vst v1  }
0x31: {  	[spmem:s4] =	stream.linear.scatter [tilespmem:s17], [sflag:$0x1], $0x2800, $0x38;
	[tilespmem:$0x19080] =	vst v63  }
0x32: {  	_ =	swait.ge [sflag:s18], $0x2800  }
0x33: {  	[sflag:s18] =	ssyncset.done $0x0  }
0x34: {  	[sflag:s18] =	ssyncadd.s32 $0xFFFFD800  }
0x35: {  	[spmem:s5] =	stream.linear.scatter [tilespmem:s17], [sflag:$0x1], $0x2800, $0x38;
	[tilespmem:$0x19080] =	vst v63  }
0x36: {  	_ =	swait.ge [sflag:s18], $0x2800  }
0x37: {  	[sflag:s18] =	ssyncset.done $0x0  }
0x38: {  	[sflag:s18] =	ssyncadd.s32 $0xFFFFD800  }
0x39: {  	[spmem:s6] =	stream.linear.scatter [tilespmem:s17], [sflag:$0x1], $0x2800, $0x38;
	[tilespmem:$0x19080] =	vst v63  }
0x3a: {  	_ =	swait.ge [sflag:s18], $0x2800  }
0x3b: {  	[sflag:s18] =	ssyncset.done $0x0  }
0x3c: {  	[sflag:s18] =	ssyncadd.s32 $0xFFFFD800  }
0x3d: {  	[spmem:s7] =	stream.linear.scatter [tilespmem:s17], [sflag:$0x1], $0x2800, $0x38;
	[tilespmem:$0x19080] =	vst v63  }
0x3e: {  	_ =	swait.ge [sflag:s18], $0x2800  }
0x3f: {  	[sflag:s18] =	ssyncset.done $0x0  }
0x40: {  	[sflag:s18] =	ssyncadd.s32 $0xFFFFD800  }
0x41: {  	[spmem:s8] =	stream.linear.scatter [tilespmem:s17], [sflag:$0x1], $0x2800, $0x38;
	[tilespmem:$0x19080] =	vst v63  }
0x42: {  	_ =	swait.ge [sflag:s18], $0x2800  }
0x43: {  	[sflag:s18] =	ssyncset.done $0x0  }
0x44: {  	[sflag:s18] =	ssyncadd.s32 $0xFFFFD800  }
0x45: {  	[spmem:s9] =	stream.linear.scatter [tilespmem:s17], [sflag:$0x1], $0x2800, $0x38;
	[tilespmem:$0x19080] =	vst v63  }
0x46: {  	_ =	swait.ge [sflag:s18], $0x2800  }
0x47: {  	[sflag:s18] =	ssyncset.done $0x0  }
0x48: {  	[sflag:s18] =	ssyncadd.s32 $0xFFFFD800  }
0x49: {  	[spmem:s10] =	stream.linear.scatter [tilespmem:s17], [sflag:$0x1], $0x2800, $0x38;
	[tilespmem:$0x19080] =	vst v63  }
0x4a: {  	_ =	swait.ge [sflag:s18], $0x2800  }
0x4b: {  	[sflag:s18] =	ssyncset.done $0x0  }
0x4c: {  	[sflag:s18] =	ssyncadd.s32 $0xFFFFD800  }
0x4d: {  	[spmem:s11] =	stream.linear.scatter [tilespmem:s17], [sflag:$0x1], $0x2800, $0x38;
	[tilespmem:$0x19080] =	vst v63  }
0x4e: {  	_ =	swait.ge [sflag:s18], $0x2800  }
0x4f: {  	[sflag:s18] =	ssyncset.done $0x0  }
0x50: {  	[sflag:s18] =	ssyncadd.s32 $0xFFFFD800  }
0x51: {  	s31 =	sadd.s32 $0x0, s15;
	[bflag:$0x0] =	sbarrier.arrive $0xFFFF  }
0x52: {  	[tilespmem:s3], [sflag:$0x1] =	stream.linear.gather [hbm4b:s31+s3], $0x50, $0x38;
	[tilespmem:$0x19080] =	vst v63  }
0x53: {  	_ =	swait.ge [sflag:s18], $0x50  }
0x54: {  	[sflag:s18] =	ssyncset.done $0x0  }
0x55: {  	[sflag:s18] =	ssyncadd.s32 $0xFFFFFFB0  }
0x56: {  	[spmem:s2] =	stream.indirect.scatter.add.f32 [tilespmem:s20], [sflag:$0x1], $0x80, s3, s19, $0xb8;
	[tilespmem:$0x19080] =	vst v63  }
0x57: {  	_ =	swait.ge [sflag:s18], $0x2800  }
0x58: {  	s22 =	simm.s32 $0xA;
	s23 =	simm.s32 $0x14;
	[sflag:s18] =	ssyncset.done $0x0  }
.LBB2_6:
0x59: {  	s24 =	sadd.s32 s22, s15  }
0x5a: {  	[sflag:s18] =	ssyncadd.s32 $0xFFFFD800;
	s22 =	smov.u32 s23;
	s25 =	sadd.s32 $0xA, s23  }
0x5b: {  	[tilespmem:s3], [sflag:$0x1] =	stream.linear.gather [hbm4b:s24+s3], $0x50, $0x38;
	[tilespmem:$0x19080] =	vst v63  }
0x5c: {  	p0 =	sne.s32 s23, $0x4D8;
	_ =	swait.ge [sflag:s18], $0x50  }
.Ltmp2:
0x5d: {  	[sflag:s18] =	ssyncset.done $0x0;
	(pc) =	sbr.rel @p0 .LBB2_6-.Ltmp2, $4  }
0x5e: {  	[sflag:s18] =	ssyncadd.s32 $0xFFFFFFB0  }
0x5f: {  	[spmem:s2] =	stream.indirect.scatter.add.f32 [tilespmem:s20], [sflag:$0x1], $0x80, s3, s19, $0xb8;
	[tilespmem:$0x19080] =	vst v63  }
0x60: {  	_ =	swait.ge [sflag:s18], $0x2800  }
0x61: {  	s23 =	smov.u32 s25;
	[sflag:s18] =	ssyncset.done $0x0  }
0x62: {  	s22 =	sadd.s32 s22, s15;
	[sflag:s18] =	ssyncadd.s32 $0xFFFFD800  }
0x63: {  	[tilespmem:s3], [sflag:$0x1] =	stream.linear.gather [hbm4b:s22+s3], $0x50, $0x38;
	[tilespmem:$0x19080] =	vst v63  }
0x64: {  	_ =	swait.ge [sflag:s18], $0x50  }
0x65: {  	[sflag:s18] =	ssyncset.done $0x0  }
0x66: {  	[sflag:s18] =	ssyncadd.s32 $0xFFFFFFB0  }
0x67: {  	[spmem:s2] =	stream.indirect.scatter.add.f32 [tilespmem:s20], [sflag:$0x1], $0x80, s3, s19, $0xb8;
	[tilespmem:$0x19080] =	vst v63  }
0x68: {  	_ =	swait.ge [sflag:s18], $0x2800  }
0x69: {  	[sflag:s18] =	ssyncset.done $0x0  }
0x6a: {  	s31 =	sshll.u32 s0, $0x6;
	[sflag:s18] =	ssyncadd.s32 $0xFFFFD800  }
0x6b: {  	s23 =	sshrl.u32 s4, $0x3;
	s22 =	sor.u32 $0x1C01, s31;
	[bflag:$0x0] =	sbarrier.arrive $0xFFFF  }
0x6c: {  	[hbm:s12], [sflag:s22] =	dma.local [spmem:s23], $0x2800  }
0x6d: {  	_ =	swait.ge [sflag:s18], $0x2800  }
0x6e: {  	[sflag:s18] =	ssyncset.done $0x0  }
0x6f: {  	[sflag:s18] =	ssyncadd.s32 $0xFFFFD800  }
0x70: {  	[bflag:$0x0] =	sbarrier.arrive $0xFFFF  }
0x71: {  	[spmem:s4] =	stream.linear.scatter [tilespmem:s17], [sflag:$0x1], $0x2800, $0x38;
	[tilespmem:$0x19080] =	vst v63  }
0x72: {  	_ =	swait.ge [sflag:s18], $0x2800  }
0x73: {  	[sflag:s18] =	ssyncset.done $0x0  }
0x74: {  	[sflag:s18] =	ssyncadd.s32 $0xFFFFD800  }
0x75: {  	[spmem:s5] =	stream.linear.scatter [tilespmem:s17], [sflag:$0x1], $0x2800, $0x38;
	[tilespmem:$0x19080] =	vst v63  }
0x76: {  	_ =	swait.ge [sflag:s18], $0x2800  }
0x77: {  	[sflag:s18] =	ssyncset.done $0x0  }
0x78: {  	[sflag:s18] =	ssyncadd.s32 $0xFFFFD800  }
0x79: {  	[spmem:s6] =	stream.linear.scatter [tilespmem:s17], [sflag:$0x1], $0x2800, $0x38;
	[tilespmem:$0x19080] =	vst v63  }
0x7a: {  	_ =	swait.ge [sflag:s18], $0x2800  }
0x7b: {  	[sflag:s18] =	ssyncset.done $0x0  }
0x7c: {  	[sflag:s18] =	ssyncadd.s32 $0xFFFFD800  }
0x7d: {  	[spmem:s7] =	stream.linear.scatter [tilespmem:s17], [sflag:$0x1], $0x2800, $0x38;
	[tilespmem:$0x19080] =	vst v63  }
0x7e: {  	_ =	swait.ge [sflag:s18], $0x2800  }
0x7f: {  	[sflag:s18] =	ssyncset.done $0x0  }
0x80: {  	[sflag:s18] =	ssyncadd.s32 $0xFFFFD800  }
0x81: {  	[spmem:s8] =	stream.linear.scatter [tilespmem:s17], [sflag:$0x1], $0x2800, $0x38;
	[tilespmem:$0x19080] =	vst v63  }
0x82: {  	_ =	swait.ge [sflag:s18], $0x2800  }
0x83: {  	[sflag:s18] =	ssyncset.done $0x0  }
0x84: {  	[sflag:s18] =	ssyncadd.s32 $0xFFFFD800  }
0x85: {  	[spmem:s9] =	stream.linear.scatter [tilespmem:s17], [sflag:$0x1], $0x2800, $0x38;
	[tilespmem:$0x19080] =	vst v63  }
0x86: {  	_ =	swait.ge [sflag:s18], $0x2800  }
0x87: {  	[sflag:s18] =	ssyncset.done $0x0  }
0x88: {  	[sflag:s18] =	ssyncadd.s32 $0xFFFFD800  }
0x89: {  	[spmem:s10] =	stream.linear.scatter [tilespmem:s17], [sflag:$0x1], $0x2800, $0x38;
	[tilespmem:$0x19080] =	vst v63  }
0x8a: {  	_ =	swait.ge [sflag:s18], $0x2800  }
0x8b: {  	[sflag:s18] =	ssyncset.done $0x0  }
0x8c: {  	[sflag:s18] =	ssyncadd.s32 $0xFFFFD800  }
0x8d: {  	[spmem:s11] =	stream.linear.scatter [tilespmem:s17], [sflag:$0x1], $0x2800, $0x38;
	[tilespmem:$0x19080] =	vst v63  }
0x8e: {  	_ =	swait.ge [sflag:s18], $0x2800  }
0x8f: {  	[sflag:s18] =	ssyncset.done $0x0  }
0x90: {  	[sflag:s18] =	ssyncadd.s32 $0xFFFFD800  }
0x91: {  	s24 =	sadd.s32 $0x0, s16;
	[bflag:$0x0] =	sbarrier.arrive $0xFFFF  }
0x92: {  	[tilespmem:s3], [sflag:$0x1] =	stream.linear.gather [hbm4b:s24+s3], $0x50, $0x38;
	[tilespmem:$0x19080] =	vst v63  }
0x93: {  	_ =	swait.ge [sflag:s18], $0x50  }
0x94: {  	[sflag:s18] =	ssyncset.done $0x0  }
0x95: {  	[sflag:s18] =	ssyncadd.s32 $0xFFFFFFB0  }
0x96: {  	[spmem:s2] =	stream.indirect.scatter.add.f32 [tilespmem:s20], [sflag:$0x1], $0x80, s3, s19, $0xb8;
	[tilespmem:$0x19080] =	vst v63  }
0x97: {  	_ =	swait.ge [sflag:s18], $0x2800  }
0x98: {  	s25 =	simm.s32 $0x14;
	s24 =	simm.s32 $0xA;
	[sflag:s18] =	ssyncset.done $0x0  }
.LBB2_8:
0x99: {  	s26 =	sadd.s32 s24, s16  }
0x9a: {  	[sflag:s18] =	ssyncadd.s32 $0xFFFFD800;
	s24 =	smov.u32 s25;
	s28 =	sadd.s32 $0xA, s25  }
0x9b: {  	[tilespmem:s3], [sflag:$0x1] =	stream.linear.gather [hbm4b:s26+s3], $0x50, $0x38;
	[tilespmem:$0x19080] =	vst v63  }
0x9c: {  	p0 =	sne.s32 s25, $0x4D8;
	_ =	swait.ge [sflag:s18], $0x50  }
.Ltmp3:
0x9d: {  	[sflag:s18] =	ssyncset.done $0x0;
	(pc) =	sbr.rel @p0 .LBB2_8-.Ltmp3, $4  }
0x9e: {  	[sflag:s18] =	ssyncadd.s32 $0xFFFFFFB0  }
0x9f: {  	[spmem:s2] =	stream.indirect.scatter.add.f32 [tilespmem:s20], [sflag:$0x1], $0x80, s3, s19, $0xb8;
	[tilespmem:$0x19080] =	vst v63  }
0xa0: {  	_ =	swait.ge [sflag:s18], $0x2800  }
0xa1: {  	s25 =	smov.u32 s28;
	[sflag:s18] =	ssyncset.done $0x0  }
0xa2: {  	s24 =	sadd.s32 s24, s16;
	[sflag:s18] =	ssyncadd.s32 $0xFFFFD800  }
0xa3: {  	[tilespmem:s3], [sflag:$0x1] =	stream.linear.gather [hbm4b:s24+s3], $0x50, $0x38;
	[tilespmem:$0x19080] =	vst v63  }
0xa4: {  	_ =	swait.ge [sflag:s18], $0x50  }
0xa5: {  	[sflag:s18] =	ssyncset.done $0x0  }
0xa6: {  	[sflag:s18] =	ssyncadd.s32 $0xFFFFFFB0  }
0xa7: {  	[spmem:s2] =	stream.indirect.scatter.add.f32 [tilespmem:s20], [sflag:$0x1], $0x80, s3, s19, $0xb8;
	[tilespmem:$0x19080] =	vst v63  }
0xa8: {  	_ =	swait.ge [sflag:s18], $0x2800  }
0xa9: {  	[sflag:s18] =	ssyncset.done $0x0  }
0xaa: {  	s21 =	sadd.s32 $0x1, s21;
	[sflag:s18] =	ssyncadd.s32 $0xFFFFD800  }
0xab: {  	p0 =	sne.s32 s21, s14;
	[bflag:$0x0] =	sbarrier.arrive $0xFFFF  }
0xac: {  	[hbm:s13], [sflag:s22] =	dma.local [spmem:s23], $0x2800  }
.Ltmp4:
0xad: {  	_ =	swait.ge [sflag:s18], $0x2800;
	(pc) =	sbr.rel @p0 .LBB2_1-.Ltmp4, $3  }
0xae: {  	[sflag:s18] =	ssyncset.done $0x0  }
0xaf: {  	[sflag:s18] =	ssyncadd.s32 $0xFFFFD800  }
0xb0: {  	[bflag:$0x0] =	sbarrier.arrive $0xFFFF;
	_ =	sdelay $0x1  }
0xb1: {  	_ =	sfence.sel $0x180000  }
0xb2: {  	[bflag:$0x0] =	sbarrier.arrive $0xFFFF  }
0xb3: {  	p0 =	sne.s32 s0, $0x0;
	_ =	strace $0x90000047  }
0xb4: {  	s0 =	sadd.s32 @!p0 $0x100000, s1;
	[bflag:$0x2] =	sbarrier.arrive $0xFFFF  }
0xb5: {  	[sflag:s0] =	ssyncadd.tile.s32 @!p0 $0x1;
	_ =	shalt  }
.Lfunc_end2:
_tile_overlayer_lowered:
.L_overlay_start_2:
0xb6: {  	(tag) =	ssettag $0x2  }
0xb7: {  	s0 =	rddreg [dreg:$0x0];
	s2 =	stileid.u32  }
0xb8: {  	s1 =	rddreg [dreg:$0x1];
	p0 =	sne.s32 s2, $0x0  }
0xb9: {  	s3 =	rddreg [dreg:$0x2];
	[bflag:$0x3] =	sbarrier.arrive $0xFFFF;
	s2 =	simm.s32 @!p0 $0x1C01  }
0xba: {  	[timem:s3], [sflag:s2] =	dma.local @!p0 [hbm:s0], s1  }
0xbb: {  	s0 =	simm.s32 @!p0 $0x1  }
0xbc: {  	_ =	swait.ge @!p0 [sflag:s0], s1  }
0xbd: {  	s1 =	ssub.s32 @!p0 $0x0, s1;
	[sflag:s0] =	ssyncset.done @!p0 $0x0  }
0xbe: {  	[sflag:s0] =	ssyncadd.s32 @!p0 s1  }
0xbf: {  	[bflag:$0x3] =	sbarrier.arrive $0xFFFF  }
0xc0: {  	_ =	shalt  }

</sc_bundles>
